<compile_context>
chip_gen: v7x
topology: tpu7x:2x2x1
jax: 0.10.2.dev20260603
libtpu: 0.0.44.dev20260713+nightly
codegen_flags: <defaults>
</compile_context>

<pallas_src>
import functools

import jax
import jax.numpy as jnp
from jax import lax
from jax.experimental import pallas as pl
from jax.experimental.pallas import tpu as pltpu
from jax.experimental.pallas import tpu_sc as plsc

_D = 1024
_B = 4
_S = 2048
_N = _B * _S
_NW = 32
_RPW = _N // _NW
_RCH = 16
_NCH = _RPW // _RCH
_NB = 7
_BLK = 1024
_EPS = 1e-5


def _make_sc_gather(n_rows):
    rpw = n_rows // _NW
    nch = rpw // _RCH

    nb = _NB

    def body(ids_hbm, tok_hbm, out_hbm, idx_v, *rest):
        bufs = rest[:nb]
        gsems = rest[nb:2 * nb]
        wsems = rest[2 * nb:3 * nb]
        cid = lax.axis_index("c")
        sid = lax.axis_index("s")
        wid = sid * 2 + cid
        base = wid * rpw
        wpr = _S // rpw
        pltpu.sync_copy(
            ids_hbm.at[wid // wpr, pl.ds((wid % wpr) * rpw, rpw)], idx_v)

        gh = [None] * nb
        wh = [None] * nb
        depth = min(nb - 1, nch)
        for j in range(depth):
            gh[j] = pltpu.async_copy(
                tok_hbm.at[idx_v.at[pl.ds(j * _RCH, _RCH)]],
                bufs[j % nb], gsems[j % nb])
        for k in range(nch):
            b = k % nb
            gh[b].wait()
            wh[b] = pltpu.async_copy(
                bufs[b], out_hbm.at[pl.ds(base + k * _RCH, _RCH)], wsems[b])
            j = k + depth
            if j < nch:
                bj = j % nb
                if wh[bj] is not None:
                    wh[bj].wait()
                gh[bj] = pltpu.async_copy(
                    tok_hbm.at[idx_v.at[pl.ds(j * _RCH, _RCH)]],
                    bufs[bj], gsems[bj])
        for b in range(nb):
            if wh[b] is not None:
                wh[b].wait()

    return pl.kernel(
        body,
        out_type=jax.ShapeDtypeStruct((n_rows, _D), jnp.float32),
        mesh=plsc.VectorSubcoreMesh(core_axis_name="c", subcore_axis_name="s"),
        scratch_types=(
            [pltpu.VMEM((rpw,), jnp.int32)]
            + [pltpu.VMEM((_RCH, _D), jnp.float32)] * nb
            + [pltpu.SemaphoreType.DMA] * (2 * nb)
        ),
    )


_sc_gather_full = _make_sc_gather(_N)


def _ln_body(x_ref, pos_ref, msk_ref, gam_ref, bet_ref, out_ref):
    x = x_ref[...] + pos_ref[...]
    ones = jnp.ones((_D, 1), jnp.float32)
    dims = (((1,), (0,)), ((), ()))
    s1 = jax.lax.dot_general(x, ones, dims,
                             preferred_element_type=jnp.float32)
    s2 = jax.lax.dot_general(x * x, ones, dims,
                             preferred_element_type=jnp.float32)
    mean = s1 * (1.0 / _D)
    var = s2 * (1.0 / _D) - mean * mean
    mrow = msk_ref[pl.ds(pl.program_id(1), 1), :]
    mcol = jnp.transpose(mrow, (1, 0))
    scale = lax.rsqrt(var + _EPS) * mcol
    y = (x - mean) * scale * gam_ref[...] + bet_ref[...] * mcol
    out_ref[...] = y


def _tc_layernorm(gathered, pos_emb, mask2d, gamma2, beta2, n_batch):
    n_sblk = _S // _BLK
    return pl.pallas_call(
        _ln_body,
        grid=(n_sblk, n_batch),
        in_specs=[
            pl.BlockSpec((_BLK, _D), lambda i, j: (j * n_sblk + i, 0)),
            pl.BlockSpec((_BLK, _D), lambda i, j: (i, 0)),
            pl.BlockSpec((_B, _BLK), lambda i, j: (0, i)),
            pl.BlockSpec((1, _D), lambda i, j: (0, 0)),
            pl.BlockSpec((1, _D), lambda i, j: (0, 0)),
        ],
        out_specs=pl.BlockSpec((_BLK, _D), lambda i, j: (j * n_sblk + i, 0)),
        out_shape=jax.ShapeDtypeStruct((n_batch * _S, _D), jnp.float32),
    )(gathered, pos_emb, mask2d, gamma2, beta2)


@jax.jit
def kernel(input_ids, attention_mask, token_emb, pos_emb, ln_gamma, ln_beta):
    ids = input_ids.astype(jnp.int32)
    mask2d = attention_mask.astype(jnp.float32)
    gamma2 = ln_gamma.reshape(1, _D)
    beta2 = ln_beta.reshape(1, _D)
    g = _sc_gather_full(ids, token_emb)
    out = _tc_layernorm(g, pos_emb, mask2d, gamma2, beta2, _B)
    return out.reshape(_B, _S, _D)

# --- scband reference (transcript-rebuilt; emitter-appended) ---
"""Pipeline reference for scband-cogment-text-head-89489938580170 (READ-ONLY COPY).

The authoritative reference and input builder live on the scoring server;
editing this copy changes nothing except your own understanding.
"""

import jax, jax.numpy as jnp
import numpy as np

D_MODEL = 1024
VOCAB = 16000
MAX_SEQ = 2048
B = 4
S = 2048

def setup_inputs(seed: int = 0) -> dict:
    key = jax.random.key(seed)
    k1, k2, k3, k4, k5 = jax.random.split(key, 5)
    input_ids = jax.random.randint(k1, (B, S), 0, VOCAB)
    attention_mask = jnp.ones((B, S), dtype=jnp.float32)
    token_emb = jax.random.normal(k2, (VOCAB, D_MODEL), dtype=jnp.float32) * 0.02
    pos_emb = jax.random.normal(k3, (MAX_SEQ, D_MODEL), dtype=jnp.float32) * 0.02
    ln_gamma = jnp.ones((D_MODEL,), dtype=jnp.float32)
    ln_beta = jnp.zeros((D_MODEL,), dtype=jnp.float32)
    return {"input_ids": input_ids, "attention_mask": attention_mask, "token_emb": token_emb, "pos_emb": pos_emb, "ln_gamma": ln_gamma, "ln_beta": ln_beta}

def reference(input_ids, attention_mask, token_emb, pos_emb, ln_gamma, ln_beta):
    b, s = input_ids.shape
    tok = jnp.take(token_emb, input_ids, axis=0)
    position_ids = jnp.arange(s)
    pos = jnp.take(pos_emb, position_ids, axis=0)[None, :, :]
    x = tok + pos
    # dropout is identity in eval mode
    mean = jnp.mean(x, axis=-1, keepdims=True)
    var = jnp.var(x, axis=-1, keepdims=True)
    x = (x - mean) / jnp.sqrt(var + 1e-5) * ln_gamma + ln_beta
    x = x * attention_mask[..., None]
    return x

if __name__ == "__main__":
    import jax
    _d = setup_inputs()
    print(jax.jit(kernel)(*tuple(_d.values())))

</pallas_src>

<mosaic_0001>
#map = affine_map<(d0, d1) -> (0, 0)>
module attributes {stable_mosaic.version = 14 : i64} {
  func.func @body(%arg0: i32, %arg1: i32, %arg2: memref<4x2048xi32, #tpu.memory_space<hbm>>, %arg3: memref<16000x1024xf32, #tpu.memory_space<hbm>>, %arg4: memref<8192x1024xf32, #tpu.memory_space<hbm>>, %arg5: memref<256xi32, #tpu.memory_space<vmem>>, %arg6: memref<16x1024xf32, #tpu.memory_space<vmem>>, %arg7: memref<16x1024xf32, #tpu.memory_space<vmem>>, %arg8: memref<16x1024xf32, #tpu.memory_space<vmem>>, %arg9: memref<16x1024xf32, #tpu.memory_space<vmem>>, %arg10: memref<16x1024xf32, #tpu.memory_space<vmem>>, %arg11: memref<16x1024xf32, #tpu.memory_space<vmem>>, %arg12: memref<16x1024xf32, #tpu.memory_space<vmem>>, %arg13: memref<!tpu.dma_semaphore, #tpu.memory_space<semaphore_mem>>, %arg14: memref<!tpu.dma_semaphore, #tpu.memory_space<semaphore_mem>>, %arg15: memref<!tpu.dma_semaphore, #tpu.memory_space<semaphore_mem>>, %arg16: memref<!tpu.dma_semaphore, #tpu.memory_space<semaphore_mem>>, %arg17: memref<!tpu.dma_semaphore, #tpu.memory_space<semaphore_mem>>, %arg18: memref<!tpu.dma_semaphore, #tpu.memory_space<semaphore_mem>>, %arg19: memref<!tpu.dma_semaphore, #tpu.memory_space<semaphore_mem>>, %arg20: memref<!tpu.dma_semaphore, #tpu.memory_space<semaphore_mem>>, %arg21: memref<!tpu.dma_semaphore, #tpu.memory_space<semaphore_mem>>, %arg22: memref<!tpu.dma_semaphore, #tpu.memory_space<semaphore_mem>>, %arg23: memref<!tpu.dma_semaphore, #tpu.memory_space<semaphore_mem>>, %arg24: memref<!tpu.dma_semaphore, #tpu.memory_space<semaphore_mem>>, %arg25: memref<!tpu.dma_semaphore, #tpu.memory_space<semaphore_mem>>, %arg26: memref<!tpu.dma_semaphore, #tpu.memory_space<semaphore_mem>>) attributes {dimension_semantics = [#tpu.dimension_semantics<core_parallel>, #tpu.dimension_semantics<subcore_parallel>], iteration_bounds = array<i64: 2, 16>, scalar_prefetch = 0 : i64, scratch_operands = 22 : i64, tpu.core_type = #tpu.core_type<sc_vector_subcore>, window_params = [{transform_indices = #map}, {transform_indices = #map}, {transform_indices = #map}]} {
    %mul3A = arith.constant 2 : i32
    %mul3A_0 = arith.muli %arg1, %mul3A : i32
    %add3A = arith.addi %mul3A_0, %arg0 : i32
    %mul3A_1 = arith.constant 256 : i32
    %mul3A_2 = arith.muli %add3A, %mul3A_1 : i32
    %jit3A = arith.constant 8 : i32
    %div3A = arith.divsi %add3A, %jit3A : i32
    %sign3A = arith.constant 0 : i32
    %sign3A_3 = arith.cmpi sgt, %add3A, %sign3A : i32
    %sign3A_4 = arith.extui %sign3A_3 : i1 to i32
    %sign3A_5 = arith.constant 0 : i32
    %sign3A_6 = arith.cmpi slt, %add3A, %sign3A_5 : i32
    %sign3A_7 = arith.extui %sign3A_6 : i1 to i32
    %sign3A_8 = arith.subi %sign3A_4, %sign3A_7 : i32
    %sign3A_9 = arith.constant 0 : i32
    %sign3A_10 = arith.cmpi sgt, %jit3A, %sign3A_9 : i32
    %sign3A_11 = arith.extui %sign3A_10 : i1 to i32
    %sign3A_12 = arith.constant 0 : i32
    %sign3A_13 = arith.cmpi slt, %jit3A, %sign3A_12 : i32
    %sign3A_14 = arith.extui %sign3A_13 : i1 to i32
    %sign3A_15 = arith.subi %sign3A_11, %sign3A_14 : i32
    %ne3A = arith.cmpi ne, %sign3A_8, %sign3A_15 : i32
    %rem3A = arith.remsi %add3A, %jit3A : i32
    %ne3A_16 = arith.constant 0 : i32
    %ne3A_17 = arith.cmpi ne, %rem3A, %ne3A_16 : i32
    %and3A = arith.andi %ne3A, %ne3A_17 : i1
    %sub3A = arith.constant 1 : i32
    %sub3A_18 = arith.subi %div3A, %sub3A : i32
    %select_n3A = arith.select %and3A, %sub3A_18, %div3A : i32
    %jit3A_19 = arith.constant 8 : i32
    %eq3A = arith.constant 0 : i32
    %eq3A_20 = arith.cmpi eq, %jit3A_19, %eq3A : i32
    %jit3A_21 = arith.constant 1 : i32
    %select_n3A_22 = arith.select %eq3A_20, %jit3A_21, %jit3A_19 : i32
    %rem3A_23 = arith.remsi %add3A, %select_n3A_22 : i32
    %ne3A_24 = arith.constant 0 : i32
    %ne3A_25 = arith.cmpi ne, %rem3A_23, %ne3A_24 : i32
    %lt3A = arith.constant 0 : i32
    %lt3A_26 = arith.cmpi slt, %rem3A_23, %lt3A : i32
    %lt3A_27 = arith.constant 0 : i32
    %lt3A_28 = arith.cmpi slt, %select_n3A_22, %lt3A_27 : i32
    %ne3A_29 = arith.xori %lt3A_26, %lt3A_28 : i1
    %and3A_30 = arith.andi %ne3A_29, %ne3A_25 : i1
    %add3A_31 = arith.addi %rem3A_23, %select_n3A_22 : i32
    %select_n3A_32 = arith.select %and3A_30, %add3A_31, %rem3A_23 : i32
    %mul3A_33 = arith.constant 256 : i32
    %mul3A_34 = arith.muli %select_n3A_32, %mul3A_33 : i32
    "tpu.region"() ({
      %run_scoped3A = tpu.sem_alloc : memref<!tpu.dma_semaphore, #tpu.memory_space<semaphore_mem>>
      %dma_start3A_353 = tpu.memref_slice %arg2[%select_n3A, %mul3A_34] : memref<4x2048xi32, #tpu.memory_space<hbm>> -> memref<1x256xi32, #tpu.memory_space<hbm>>
      %dma_start3A_354 = tpu.memref_squeeze %dma_start3A_353 : memref<1x256xi32, #tpu.memory_space<hbm>> -> memref<256xi32, #tpu.memory_space<hbm>>
      %dma_start3A_355 = tpu.memref_slice %arg2[%select_n3A, %mul3A_34] : memref<4x2048xi32, #tpu.memory_space<hbm>> -> memref<1x256xi32, #tpu.memory_space<hbm>>
      %dma_start3A_356 = tpu.memref_squeeze %dma_start3A_355 : memref<1x256xi32, #tpu.memory_space<hbm>> -> memref<256xi32, #tpu.memory_space<hbm>>
      tpu.enqueue_dma source(%dma_start3A_356 : memref<256xi32, #tpu.memory_space<hbm>>) target(%arg5 : memref<256xi32, #tpu.memory_space<vmem>>) target_semaphore(%run_scoped3A : memref<!tpu.dma_semaphore, #tpu.memory_space<semaphore_mem>>)
      %dma_wait3A_357 = tpu.memref_slice %arg2[%select_n3A, %mul3A_34] : memref<4x2048xi32, #tpu.memory_space<hbm>> -> memref<1x256xi32, #tpu.memory_space<hbm>>
      %dma_wait3A_358 = tpu.memref_squeeze %dma_wait3A_357 : memref<1x256xi32, #tpu.memory_space<hbm>> -> memref<256xi32, #tpu.memory_space<hbm>>
      %dma_wait3A_359 = tpu.memref_slice %arg2[%select_n3A, %mul3A_34] : memref<4x2048xi32, #tpu.memory_space<hbm>> -> memref<1x256xi32, #tpu.memory_space<hbm>>
      %dma_wait3A_360 = tpu.memref_squeeze %dma_wait3A_359 : memref<1x256xi32, #tpu.memory_space<hbm>> -> memref<256xi32, #tpu.memory_space<hbm>>
      tpu.wait_dma2 semaphore(%run_scoped3A : memref<!tpu.dma_semaphore, #tpu.memory_space<semaphore_mem>>) src(%dma_wait3A_360 : memref<256xi32, #tpu.memory_space<hbm>>) dst(%arg5 : memref<256xi32, #tpu.memory_space<vmem>>)
      tpu.yield
    }) : () -> ()
    %dma_start3A = arith.constant 0 : i32
    %dma_start3A_35 = tpu.memref_slice %arg5[%dma_start3A] : memref<256xi32, #tpu.memory_space<vmem>> -> memref<16xi32, #tpu.memory_space<vmem>>
    %dma_start3A_36 = arith.constant 0 : i32
    %dma_start3A_37 = arith.constant 0 : i32
    %dma_start3A_38 = tpu.memref_slice %arg3[%dma_start3A_36, %dma_start3A_37] : memref<16000x1024xf32, #tpu.memory_space<hbm>> -> memref<16000x1024xf32, #tpu.memory_space<hbm>>
    tpu.enqueue_indirect_dma source(%dma_start3A_38 : memref<16000x1024xf32, #tpu.memory_space<hbm>>) target(%arg6 : memref<16x1024xf32, #tpu.memory_space<vmem>>) offsets(%dma_start3A_35 : memref<16xi32, #tpu.memory_space<vmem>>) semaphore(%arg13 : memref<!tpu.dma_semaphore, #tpu.memory_space<semaphore_mem>>)
    %dma_start3A_39 = arith.constant 16 : i32
    %dma_start3A_40 = tpu.memref_slice %arg5[%dma_start3A_39] : memref<256xi32, #tpu.memory_space<vmem>> -> memref<16xi32, #tpu.memory_space<vmem>>
    %dma_start3A_41 = arith.constant 0 : i32
    %dma_start3A_42 = arith.constant 0 : i32
    %dma_start3A_43 = tpu.memref_slice %arg3[%dma_start3A_41, %dma_start3A_42] : memref<16000x1024xf32, #tpu.memory_space<hbm>> -> memref<16000x1024xf32, #tpu.memory_space<hbm>>
    tpu.enqueue_indirect_dma source(%dma_start3A_43 : memref<16000x1024xf32, #tpu.memory_space<hbm>>) target(%arg7 : memref<16x1024xf32, #tpu.memory_space<vmem>>) offsets(%dma_start3A_40 : memref<16xi32, #tpu.memory_space<vmem>>) semaphore(%arg14 : memref<!tpu.dma_semaphore, #tpu.memory_space<semaphore_mem>>)
    %dma_start3A_44 = arith.constant 32 : i32
    %dma_start3A_45 = tpu.memref_slice %arg5[%dma_start3A_44] : memref<256xi32, #tpu.memory_space<vmem>> -> memref<16xi32, #tpu.memory_space<vmem>>
    %dma_start3A_46 = arith.constant 0 : i32
    %dma_start3A_47 = arith.constant 0 : i32
    %dma_start3A_48 = tpu.memref_slice %arg3[%dma_start3A_46, %dma_start3A_47] : memref<16000x1024xf32, #tpu.memory_space<hbm>> -> memref<16000x1024xf32, #tpu.memory_space<hbm>>
    tpu.enqueue_indirect_dma source(%dma_start3A_48 : memref<16000x1024xf32, #tpu.memory_space<hbm>>) target(%arg8 : memref<16x1024xf32, #tpu.memory_space<vmem>>) offsets(%dma_start3A_45 : memref<16xi32, #tpu.memory_space<vmem>>) semaphore(%arg15 : memref<!tpu.dma_semaphore, #tpu.memory_space<semaphore_mem>>)
    %dma_start3A_49 = arith.constant 48 : i32
    %dma_start3A_50 = tpu.memref_slice %arg5[%dma_start3A_49] : memref<256xi32, #tpu.memory_space<vmem>> -> memref<16xi32, #tpu.memory_space<vmem>>
    %dma_start3A_51 = arith.constant 0 : i32
    %dma_start3A_52 = arith.constant 0 : i32
    %dma_start3A_53 = tpu.memref_slice %arg3[%dma_start3A_51, %dma_start3A_52] : memref<16000x1024xf32, #tpu.memory_space<hbm>> -> memref<16000x1024xf32, #tpu.memory_space<hbm>>
    tpu.enqueue_indirect_dma source(%dma_start3A_53 : memref<16000x1024xf32, #tpu.memory_space<hbm>>) target(%arg9 : memref<16x1024xf32, #tpu.memory_space<vmem>>) offsets(%dma_start3A_50 : memref<16xi32, #tpu.memory_space<vmem>>) semaphore(%arg16 : memref<!tpu.dma_semaphore, #tpu.memory_space<semaphore_mem>>)
    %dma_start3A_54 = arith.constant 64 : i32
    %dma_start3A_55 = tpu.memref_slice %arg5[%dma_start3A_54] : memref<256xi32, #tpu.memory_space<vmem>> -> memref<16xi32, #tpu.memory_space<vmem>>
    %dma_start3A_56 = arith.constant 0 : i32
    %dma_start3A_57 = arith.constant 0 : i32
    %dma_start3A_58 = tpu.memref_slice %arg3[%dma_start3A_56, %dma_start3A_57] : memref<16000x1024xf32, #tpu.memory_space<hbm>> -> memref<16000x1024xf32, #tpu.memory_space<hbm>>
    tpu.enqueue_indirect_dma source(%dma_start3A_58 : memref<16000x1024xf32, #tpu.memory_space<hbm>>) target(%arg10 : memref<16x1024xf32, #tpu.memory_space<vmem>>) offsets(%dma_start3A_55 : memref<16xi32, #tpu.memory_space<vmem>>) semaphore(%arg17 : memref<!tpu.dma_semaphore, #tpu.memory_space<semaphore_mem>>)
    %dma_start3A_59 = arith.constant 80 : i32
    %dma_start3A_60 = tpu.memref_slice %arg5[%dma_start3A_59] : memref<256xi32, #tpu.memory_space<vmem>> -> memref<16xi32, #tpu.memory_space<vmem>>
    %dma_start3A_61 = arith.constant 0 : i32
    %dma_start3A_62 = arith.constant 0 : i32
    %dma_start3A_63 = tpu.memref_slice %arg3[%dma_start3A_61, %dma_start3A_62] : memref<16000x1024xf32, #tpu.memory_space<hbm>> -> memref<16000x1024xf32, #tpu.memory_space<hbm>>
    tpu.enqueue_indirect_dma source(%dma_start3A_63 : memref<16000x1024xf32, #tpu.memory_space<hbm>>) target(%arg11 : memref<16x1024xf32, #tpu.memory_space<vmem>>) offsets(%dma_start3A_60 : memref<16xi32, #tpu.memory_space<vmem>>) semaphore(%arg18 : memref<!tpu.dma_semaphore, #tpu.memory_space<semaphore_mem>>)
    %dma_wait3A = arith.constant 0 : i32
    %dma_wait3A_64 = tpu.memref_slice %arg5[%dma_wait3A] : memref<256xi32, #tpu.memory_space<vmem>> -> memref<16xi32, #tpu.memory_space<vmem>>
    %dma_wait3A_65 = arith.constant 0 : i32
    %dma_wait3A_66 = arith.constant 0 : i32
    %dma_wait3A_67 = tpu.memref_slice %arg3[%dma_wait3A_65, %dma_wait3A_66] : memref<16000x1024xf32, #tpu.memory_space<hbm>> -> memref<16000x1024xf32, #tpu.memory_space<hbm>>
    tpu.wait_indirect_dma semaphore(%arg13 : memref<!tpu.dma_semaphore, #tpu.memory_space<semaphore_mem>>) src(%dma_wait3A_67 : memref<16000x1024xf32, #tpu.memory_space<hbm>>) dst(%arg6 : memref<16x1024xf32, #tpu.memory_space<vmem>>)
    %add3A_68 = arith.constant 0 : i32
    %add3A_69 = arith.addi %mul3A_2, %add3A_68 : i32
    %dma_start3A_70 = arith.constant 0 : i32
    %dma_start3A_71 = tpu.memref_slice %arg4[%add3A_69, %dma_start3A_70] : memref<8192x1024xf32, #tpu.memory_space<hbm>> -> memref<16x1024xf32, #tpu.memory_space<hbm>>
    %dma_start3A_72 = arith.constant 0 : i32
    %dma_start3A_73 = tpu.memref_slice %arg4[%add3A_69, %dma_start3A_72] : memref<8192x1024xf32, #tpu.memory_space<hbm>> -> memref<16x1024xf32, #tpu.memory_space<hbm>>
    tpu.enqueue_dma source(%arg6 : memref<16x1024xf32, #tpu.memory_space<vmem>>) target(%dma_start3A_73 : memref<16x1024xf32, #tpu.memory_space<hbm>>) target_semaphore(%arg20 : memref<!tpu.dma_semaphore, #tpu.memory_space<semaphore_mem>>)
    %dma_start3A_74 = arith.constant 96 : i32
    %dma_start3A_75 = tpu.memref_slice %arg5[%dma_start3A_74] : memref<256xi32, #tpu.memory_space<vmem>> -> memref<16xi32, #tpu.memory_space<vmem>>
    %dma_start3A_76 = arith.constant 0 : i32
    %dma_start3A_77 = arith.constant 0 : i32
    %dma_start3A_78 = tpu.memref_slice %arg3[%dma_start3A_76, %dma_start3A_77] : memref<16000x1024xf32, #tpu.memory_space<hbm>> -> memref<16000x1024xf32, #tpu.memory_space<hbm>>
    tpu.enqueue_indirect_dma source(%dma_start3A_78 : memref<16000x1024xf32, #tpu.memory_space<hbm>>) target(%arg12 : memref<16x1024xf32, #tpu.memory_space<vmem>>) offsets(%dma_start3A_75 : memref<16xi32, #tpu.memory_space<vmem>>) semaphore(%arg19 : memref<!tpu.dma_semaphore, #tpu.memory_space<semaphore_mem>>)
    %dma_wait3A_79 = arith.constant 16 : i32
    %dma_wait3A_80 = tpu.memref_slice %arg5[%dma_wait3A_79] : memref<256xi32, #tpu.memory_space<vmem>> -> memref<16xi32, #tpu.memory_space<vmem>>
    %dma_wait3A_81 = arith.constant 0 : i32
    %dma_wait3A_82 = arith.constant 0 : i32
    %dma_wait3A_83 = tpu.memref_slice %arg3[%dma_wait3A_81, %dma_wait3A_82] : memref<16000x1024xf32, #tpu.memory_space<hbm>> -> memref<16000x1024xf32, #tpu.memory_space<hbm>>
    tpu.wait_indirect_dma semaphore(%arg14 : memref<!tpu.dma_semaphore, #tpu.memory_space<semaphore_mem>>) src(%dma_wait3A_83 : memref<16000x1024xf32, #tpu.memory_space<hbm>>) dst(%arg7 : memref<16x1024xf32, #tpu.memory_space<vmem>>)
    %add3A_84 = arith.constant 16 : i32
    %add3A_85 = arith.addi %mul3A_2, %add3A_84 : i32
    %dma_start3A_86 = arith.constant 0 : i32
    %dma_start3A_87 = tpu.memref_slice %arg4[%add3A_85, %dma_start3A_86] : memref<8192x1024xf32, #tpu.memory_space<hbm>> -> memref<16x1024xf32, #tpu.memory_space<hbm>>
    %dma_start3A_88 = arith.constant 0 : i32
    %dma_start3A_89 = tpu.memref_slice %arg4[%add3A_85, %dma_start3A_88] : memref<8192x1024xf32, #tpu.memory_space<hbm>> -> memref<16x1024xf32, #tpu.memory_space<hbm>>
    tpu.enqueue_dma source(%arg7 : memref<16x1024xf32, #tpu.memory_space<vmem>>) target(%dma_start3A_89 : memref<16x1024xf32, #tpu.memory_space<hbm>>) target_semaphore(%arg21 : memref<!tpu.dma_semaphore, #tpu.memory_space<semaphore_mem>>)
    %dma_wait3A_90 = arith.constant 0 : i32
    %dma_wait3A_91 = tpu.memref_slice %arg4[%add3A_69, %dma_wait3A_90] : memref<8192x1024xf32, #tpu.memory_space<hbm>> -> memref<16x1024xf32, #tpu.memory_space<hbm>>
    %dma_wait3A_92 = arith.constant 0 : i32
    %dma_wait3A_93 = tpu.memref_slice %arg4[%add3A_69, %dma_wait3A_92] : memref<8192x1024xf32, #tpu.memory_space<hbm>> -> memref<16x1024xf32, #tpu.memory_space<hbm>>
    tpu.wait_dma2 semaphore(%arg20 : memref<!tpu.dma_semaphore, #tpu.memory_space<semaphore_mem>>) src(%arg6 : memref<16x1024xf32, #tpu.memory_space<vmem>>) dst(%dma_wait3A_93 : memref<16x1024xf32, #tpu.memory_space<hbm>>)
    %dma_start3A_94 = arith.constant 112 : i32
    %dma_start3A_95 = tpu.memref_slice %arg5[%dma_start3A_94] : memref<256xi32, #tpu.memory_space<vmem>> -> memref<16xi32, #tpu.memory_space<vmem>>
    %dma_start3A_96 = arith.constant 0 : i32
    %dma_start3A_97 = arith.constant 0 : i32
    %dma_start3A_98 = tpu.memref_slice %arg3[%dma_start3A_96, %dma_start3A_97] : memref<16000x1024xf32, #tpu.memory_space<hbm>> -> memref<16000x1024xf32, #tpu.memory_space<hbm>>
    tpu.enqueue_indirect_dma source(%dma_start3A_98 : memref<16000x1024xf32, #tpu.memory_space<hbm>>) target(%arg6 : memref<16x1024xf32, #tpu.memory_space<vmem>>) offsets(%dma_start3A_95 : memref<16xi32, #tpu.memory_space<vmem>>) semaphore(%arg13 : memref<!tpu.dma_semaphore, #tpu.memory_space<semaphore_mem>>)
    %dma_wait3A_99 = arith.constant 32 : i32
    %dma_wait3A_100 = tpu.memref_slice %arg5[%dma_wait3A_99] : memref<256xi32, #tpu.memory_space<vmem>> -> memref<16xi32, #tpu.memory_space<vmem>>
    %dma_wait3A_101 = arith.constant 0 : i32
    %dma_wait3A_102 = arith.constant 0 : i32
    %dma_wait3A_103 = tpu.memref_slice %arg3[%dma_wait3A_101, %dma_wait3A_102] : memref<16000x1024xf32, #tpu.memory_space<hbm>> -> memref<16000x1024xf32, #tpu.memory_space<hbm>>
    tpu.wait_indirect_dma semaphore(%arg15 : memref<!tpu.dma_semaphore, #tpu.memory_space<semaphore_mem>>) src(%dma_wait3A_103 : memref<16000x1024xf32, #tpu.memory_space<hbm>>) dst(%arg8 : memref<16x1024xf32, #tpu.memory_space<vmem>>)
    %add3A_104 = arith.constant 32 : i32
    %add3A_105 = arith.addi %mul3A_2, %add3A_104 : i32
    %dma_start3A_106 = arith.constant 0 : i32
    %dma_start3A_107 = tpu.memref_slice %arg4[%add3A_105, %dma_start3A_106] : memref<8192x1024xf32, #tpu.memory_space<hbm>> -> memref<16x1024xf32, #tpu.memory_space<hbm>>
    %dma_start3A_108 = arith.constant 0 : i32
    %dma_start3A_109 = tpu.memref_slice %arg4[%add3A_105, %dma_start3A_108] : memref<8192x1024xf32, #tpu.memory_space<hbm>> -> memref<16x1024xf32, #tpu.memory_space<hbm>>
    tpu.enqueue_dma source(%arg8 : memref<16x1024xf32, #tpu.memory_space<vmem>>) target(%dma_start3A_109 : memref<16x1024xf32, #tpu.memory_space<hbm>>) target_semaphore(%arg22 : memref<!tpu.dma_semaphore, #tpu.memory_space<semaphore_mem>>)
    %dma_wait3A_110 = arith.constant 0 : i32
    %dma_wait3A_111 = tpu.memref_slice %arg4[%add3A_85, %dma_wait3A_110] : memref<8192x1024xf32, #tpu.memory_space<hbm>> -> memref<16x1024xf32, #tpu.memory_space<hbm>>
    %dma_wait3A_112 = arith.constant 0 : i32
    %dma_wait3A_113 = tpu.memref_slice %arg4[%add3A_85, %dma_wait3A_112] : memref<8192x1024xf32, #tpu.memory_space<hbm>> -> memref<16x1024xf32, #tpu.memory_space<hbm>>
    tpu.wait_dma2 semaphore(%arg21 : memref<!tpu.dma_semaphore, #tpu.memory_space<semaphore_mem>>) src(%arg7 : memref<16x1024xf32, #tpu.memory_space<vmem>>) dst(%dma_wait3A_113 : memref<16x1024xf32, #tpu.memory_space<hbm>>)
    %dma_start3A_114 = arith.constant 128 : i32
    %dma_start3A_115 = tpu.memref_slice %arg5[%dma_start3A_114] : memref<256xi32, #tpu.memory_space<vmem>> -> memref<16xi32, #tpu.memory_space<vmem>>
    %dma_start3A_116 = arith.constant 0 : i32
    %dma_start3A_117 = arith.constant 0 : i32
    %dma_start3A_118 = tpu.memref_slice %arg3[%dma_start3A_116, %dma_start3A_117] : memref<16000x1024xf32, #tpu.memory_space<hbm>> -> memref<16000x1024xf32, #tpu.memory_space<hbm>>
    tpu.enqueue_indirect_dma source(%dma_start3A_118 : memref<16000x1024xf32, #tpu.memory_space<hbm>>) target(%arg7 : memref<16x1024xf32, #tpu.memory_space<vmem>>) offsets(%dma_start3A_115 : memref<16xi32, #tpu.memory_space<vmem>>) semaphore(%arg14 : memref<!tpu.dma_semaphore, #tpu.memory_space<semaphore_mem>>)
    %dma_wait3A_119 = arith.constant 48 : i32
    %dma_wait3A_120 = tpu.memref_slice %arg5[%dma_wait3A_119] : memref<256xi32, #tpu.memory_space<vmem>> -> memref<16xi32, #tpu.memory_space<vmem>>
    %dma_wait3A_121 = arith.constant 0 : i32
    %dma_wait3A_122 = arith.constant 0 : i32
    %dma_wait3A_123 = tpu.memref_slice %arg3[%dma_wait3A_121, %dma_wait3A_122] : memref<16000x1024xf32, #tpu.memory_space<hbm>> -> memref<16000x1024xf32, #tpu.memory_space<hbm>>
    tpu.wait_indirect_dma semaphore(%arg16 : memref<!tpu.dma_semaphore, #tpu.memory_space<semaphore_mem>>) src(%dma_wait3A_123 : memref<16000x1024xf32, #tpu.memory_space<hbm>>) dst(%arg9 : memref<16x1024xf32, #tpu.memory_space<vmem>>)
    %add3A_124 = arith.constant 48 : i32
    %add3A_125 = arith.addi %mul3A_2, %add3A_124 : i32
    %dma_start3A_126 = arith.constant 0 : i32
    %dma_start3A_127 = tpu.memref_slice %arg4[%add3A_125, %dma_start3A_126] : memref<8192x1024xf32, #tpu.memory_space<hbm>> -> memref<16x1024xf32, #tpu.memory_space<hbm>>
    %dma_start3A_128 = arith.constant 0 : i32
    %dma_start3A_129 = tpu.memref_slice %arg4[%add3A_125, %dma_start3A_128] : memref<8192x1024xf32, #tpu.memory_space<hbm>> -> memref<16x1024xf32, #tpu.memory_space<hbm>>
    tpu.enqueue_dma source(%arg9 : memref<16x1024xf32, #tpu.memory_space<vmem>>) target(%dma_start3A_129 : memref<16x1024xf32, #tpu.memory_space<hbm>>) target_semaphore(%arg23 : memref<!tpu.dma_semaphore, #tpu.memory_space<semaphore_mem>>)
    %dma_wait3A_130 = arith.constant 0 : i32
    %dma_wait3A_131 = tpu.memref_slice %arg4[%add3A_105, %dma_wait3A_130] : memref<8192x1024xf32, #tpu.memory_space<hbm>> -> memref<16x1024xf32, #tpu.memory_space<hbm>>
    %dma_wait3A_132 = arith.constant 0 : i32
    %dma_wait3A_133 = tpu.memref_slice %arg4[%add3A_105, %dma_wait3A_132] : memref<8192x1024xf32, #tpu.memory_space<hbm>> -> memref<16x1024xf32, #tpu.memory_space<hbm>>
    tpu.wait_dma2 semaphore(%arg22 : memref<!tpu.dma_semaphore, #tpu.memory_space<semaphore_mem>>) src(%arg8 : memref<16x1024xf32, #tpu.memory_space<vmem>>) dst(%dma_wait3A_133 : memref<16x1024xf32, #tpu.memory_space<hbm>>)
    %dma_start3A_134 = arith.constant 144 : i32
    %dma_start3A_135 = tpu.memref_slice %arg5[%dma_start3A_134] : memref<256xi32, #tpu.memory_space<vmem>> -> memref<16xi32, #tpu.memory_space<vmem>>
    %dma_start3A_136 = arith.constant 0 : i32
    %dma_start3A_137 = arith.constant 0 : i32
    %dma_start3A_138 = tpu.memref_slice %arg3[%dma_start3A_136, %dma_start3A_137] : memref<16000x1024xf32, #tpu.memory_space<hbm>> -> memref<16000x1024xf32, #tpu.memory_space<hbm>>
    tpu.enqueue_indirect_dma source(%dma_start3A_138 : memref<16000x1024xf32, #tpu.memory_space<hbm>>) target(%arg8 : memref<16x1024xf32, #tpu.memory_space<vmem>>) offsets(%dma_start3A_135 : memref<16xi32, #tpu.memory_space<vmem>>) semaphore(%arg15 : memref<!tpu.dma_semaphore, #tpu.memory_space<semaphore_mem>>)
    %dma_wait3A_139 = arith.constant 64 : i32
    %dma_wait3A_140 = tpu.memref_slice %arg5[%dma_wait3A_139] : memref<256xi32, #tpu.memory_space<vmem>> -> memref<16xi32, #tpu.memory_space<vmem>>
    %dma_wait3A_141 = arith.constant 0 : i32
    %dma_wait3A_142 = arith.constant 0 : i32
    %dma_wait3A_143 = tpu.memref_slice %arg3[%dma_wait3A_141, %dma_wait3A_142] : memref<16000x1024xf32, #tpu.memory_space<hbm>> -> memref<16000x1024xf32, #tpu.memory_space<hbm>>
    tpu.wait_indirect_dma semaphore(%arg17 : memref<!tpu.dma_semaphore, #tpu.memory_space<semaphore_mem>>) src(%dma_wait3A_143 : memref<16000x1024xf32, #tpu.memory_space<hbm>>) dst(%arg10 : memref<16x1024xf32, #tpu.memory_space<vmem>>)
    %add3A_144 = arith.constant 64 : i32
    %add3A_145 = arith.addi %mul3A_2, %add3A_144 : i32
    %dma_start3A_146 = arith.constant 0 : i32
    %dma_start3A_147 = tpu.memref_slice %arg4[%add3A_145, %dma_start3A_146] : memref<8192x1024xf32, #tpu.memory_space<hbm>> -> memref<16x1024xf32, #tpu.memory_space<hbm>>
    %dma_start3A_148 = arith.constant 0 : i32
    %dma_start3A_149 = tpu.memref_slice %arg4[%add3A_145, %dma_start3A_148] : memref<8192x1024xf32, #tpu.memory_space<hbm>> -> memref<16x1024xf32, #tpu.memory_space<hbm>>
    tpu.enqueue_dma source(%arg10 : memref<16x1024xf32, #tpu.memory_space<vmem>>) target(%dma_start3A_149 : memref<16x1024xf32, #tpu.memory_space<hbm>>) target_semaphore(%arg24 : memref<!tpu.dma_semaphore, #tpu.memory_space<semaphore_mem>>)
    %dma_wait3A_150 = arith.constant 0 : i32
    %dma_wait3A_151 = tpu.memref_slice %arg4[%add3A_125, %dma_wait3A_150] : memref<8192x1024xf32, #tpu.memory_space<hbm>> -> memref<16x1024xf32, #tpu.memory_space<hbm>>
    %dma_wait3A_152 = arith.constant 0 : i32
    %dma_wait3A_153 = tpu.memref_slice %arg4[%add3A_125, %dma_wait3A_152] : memref<8192x1024xf32, #tpu.memory_space<hbm>> -> memref<16x1024xf32, #tpu.memory_space<hbm>>
    tpu.wait_dma2 semaphore(%arg23 : memref<!tpu.dma_semaphore, #tpu.memory_space<semaphore_mem>>) src(%arg9 : memref<16x1024xf32, #tpu.memory_space<vmem>>) dst(%dma_wait3A_153 : memref<16x1024xf32, #tpu.memory_space<hbm>>)
    %dma_start3A_154 = arith.constant 160 : i32
    %dma_start3A_155 = tpu.memref_slice %arg5[%dma_start3A_154] : memref<256xi32, #tpu.memory_space<vmem>> -> memref<16xi32, #tpu.memory_space<vmem>>
    %dma_start3A_156 = arith.constant 0 : i32
    %dma_start3A_157 = arith.constant 0 : i32
    %dma_start3A_158 = tpu.memref_slice %arg3[%dma_start3A_156, %dma_start3A_157] : memref<16000x1024xf32, #tpu.memory_space<hbm>> -> memref<16000x1024xf32, #tpu.memory_space<hbm>>
    tpu.enqueue_indirect_dma source(%dma_start3A_158 : memref<16000x1024xf32, #tpu.memory_space<hbm>>) target(%arg9 : memref<16x1024xf32, #tpu.memory_space<vmem>>) offsets(%dma_start3A_155 : memref<16xi32, #tpu.memory_space<vmem>>) semaphore(%arg16 : memref<!tpu.dma_semaphore, #tpu.memory_space<semaphore_mem>>)
    %dma_wait3A_159 = arith.constant 80 : i32
    %dma_wait3A_160 = tpu.memref_slice %arg5[%dma_wait3A_159] : memref<256xi32, #tpu.memory_space<vmem>> -> memref<16xi32, #tpu.memory_space<vmem>>
    %dma_wait3A_161 = arith.constant 0 : i32
    %dma_wait3A_162 = arith.constant 0 : i32
    %dma_wait3A_163 = tpu.memref_slice %arg3[%dma_wait3A_161, %dma_wait3A_162] : memref<16000x1024xf32, #tpu.memory_space<hbm>> -> memref<16000x1024xf32, #tpu.memory_space<hbm>>
    tpu.wait_indirect_dma semaphore(%arg18 : memref<!tpu.dma_semaphore, #tpu.memory_space<semaphore_mem>>) src(%dma_wait3A_163 : memref<16000x1024xf32, #tpu.memory_space<hbm>>) dst(%arg11 : memref<16x1024xf32, #tpu.memory_space<vmem>>)
    %add3A_164 = arith.constant 80 : i32
    %add3A_165 = arith.addi %mul3A_2, %add3A_164 : i32
    %dma_start3A_166 = arith.constant 0 : i32
    %dma_start3A_167 = tpu.memref_slice %arg4[%add3A_165, %dma_start3A_166] : memref<8192x1024xf32, #tpu.memory_space<hbm>> -> memref<16x1024xf32, #tpu.memory_space<hbm>>
    %dma_start3A_168 = arith.constant 0 : i32
    %dma_start3A_169 = tpu.memref_slice %arg4[%add3A_165, %dma_start3A_168] : memref<8192x1024xf32, #tpu.memory_space<hbm>> -> memref<16x1024xf32, #tpu.memory_space<hbm>>
    tpu.enqueue_dma source(%arg11 : memref<16x1024xf32, #tpu.memory_space<vmem>>) target(%dma_start3A_169 : memref<16x1024xf32, #tpu.memory_space<hbm>>) target_semaphore(%arg25 : memref<!tpu.dma_semaphore, #tpu.memory_space<semaphore_mem>>)
    %dma_wait3A_170 = arith.constant 0 : i32
    %dma_wait3A_171 = tpu.memref_slice %arg4[%add3A_145, %dma_wait3A_170] : memref<8192x1024xf32, #tpu.memory_space<hbm>> -> memref<16x1024xf32, #tpu.memory_space<hbm>>
    %dma_wait3A_172 = arith.constant 0 : i32
    %dma_wait3A_173 = tpu.memref_slice %arg4[%add3A_145, %dma_wait3A_172] : memref<8192x1024xf32, #tpu.memory_space<hbm>> -> memref<16x1024xf32, #tpu.memory_space<hbm>>
    tpu.wait_dma2 semaphore(%arg24 : memref<!tpu.dma_semaphore, #tpu.memory_space<semaphore_mem>>) src(%arg10 : memref<16x1024xf32, #tpu.memory_space<vmem>>) dst(%dma_wait3A_173 : memref<16x1024xf32, #tpu.memory_space<hbm>>)
    %dma_start3A_174 = arith.constant 176 : i32
    %dma_start3A_175 = tpu.memref_slice %arg5[%dma_start3A_174] : memref<256xi32, #tpu.memory_space<vmem>> -> memref<16xi32, #tpu.memory_space<vmem>>
    %dma_start3A_176 = arith.constant 0 : i32
    %dma_start3A_177 = arith.constant 0 : i32
    %dma_start3A_178 = tpu.memref_slice %arg3[%dma_start3A_176, %dma_start3A_177] : memref<16000x1024xf32, #tpu.memory_space<hbm>> -> memref<16000x1024xf32, #tpu.memory_space<hbm>>
    tpu.enqueue_indirect_dma source(%dma_start3A_178 : memref<16000x1024xf32, #tpu.memory_space<hbm>>) target(%arg10 : memref<16x1024xf32, #tpu.memory_space<vmem>>) offsets(%dma_start3A_175 : memref<16xi32, #tpu.memory_space<vmem>>) semaphore(%arg17 : memref<!tpu.dma_semaphore, #tpu.memory_space<semaphore_mem>>)
    %dma_wait3A_179 = arith.constant 96 : i32
    %dma_wait3A_180 = tpu.memref_slice %arg5[%dma_wait3A_179] : memref<256xi32, #tpu.memory_space<vmem>> -> memref<16xi32, #tpu.memory_space<vmem>>
    %dma_wait3A_181 = arith.constant 0 : i32
    %dma_wait3A_182 = arith.constant 0 : i32
    %dma_wait3A_183 = tpu.memref_slice %arg3[%dma_wait3A_181, %dma_wait3A_182] : memref<16000x1024xf32, #tpu.memory_space<hbm>> -> memref<16000x1024xf32, #tpu.memory_space<hbm>>
    tpu.wait_indirect_dma semaphore(%arg19 : memref<!tpu.dma_semaphore, #tpu.memory_space<semaphore_mem>>) src(%dma_wait3A_183 : memref<16000x1024xf32, #tpu.memory_space<hbm>>) dst(%arg12 : memref<16x1024xf32, #tpu.memory_space<vmem>>)
    %add3A_184 = arith.constant 96 : i32
    %add3A_185 = arith.addi %mul3A_2, %add3A_184 : i32
    %dma_start3A_186 = arith.constant 0 : i32
    %dma_start3A_187 = tpu.memref_slice %arg4[%add3A_185, %dma_start3A_186] : memref<8192x1024xf32, #tpu.memory_space<hbm>> -> memref<16x1024xf32, #tpu.memory_space<hbm>>
    %dma_start3A_188 = arith.constant 0 : i32
    %dma_start3A_189 = tpu.memref_slice %arg4[%add3A_185, %dma_start3A_188] : memref<8192x1024xf32, #tpu.memory_space<hbm>> -> memref<16x1024xf32, #tpu.memory_space<hbm>>
    tpu.enqueue_dma source(%arg12 : memref<16x1024xf32, #tpu.memory_space<vmem>>) target(%dma_start3A_189 : memref<16x1024xf32, #tpu.memory_space<hbm>>) target_semaphore(%arg26 : memref<!tpu.dma_semaphore, #tpu.memory_space<semaphore_mem>>)
    %dma_wait3A_190 = arith.constant 0 : i32
    %dma_wait3A_191 = tpu.memref_slice %arg4[%add3A_165, %dma_wait3A_190] : memref<8192x1024xf32, #tpu.memory_space<hbm>> -> memref<16x1024xf32, #tpu.memory_space<hbm>>
    %dma_wait3A_192 = arith.constant 0 : i32
    %dma_wait3A_193 = tpu.memref_slice %arg4[%add3A_165, %dma_wait3A_192] : memref<8192x1024xf32, #tpu.memory_space<hbm>> -> memref<16x1024xf32, #tpu.memory_space<hbm>>
    tpu.wait_dma2 semaphore(%arg25 : memref<!tpu.dma_semaphore, #tpu.memory_space<semaphore_mem>>) src(%arg11 : memref<16x1024xf32, #tpu.memory_space<vmem>>) dst(%dma_wait3A_193 : memref<16x1024xf32, #tpu.memory_space<hbm>>)
    %dma_start3A_194 = arith.constant 192 : i32
    %dma_start3A_195 = tpu.memref_slice %arg5[%dma_start3A_194] : memref<256xi32, #tpu.memory_space<vmem>> -> memref<16xi32, #tpu.memory_space<vmem>>
    %dma_start3A_196 = arith.constant 0 : i32
    %dma_start3A_197 = arith.constant 0 : i32
    %dma_start3A_198 = tpu.memref_slice %arg3[%dma_start3A_196, %dma_start3A_197] : memref<16000x1024xf32, #tpu.memory_space<hbm>> -> memref<16000x1024xf32, #tpu.memory_space<hbm>>
    tpu.enqueue_indirect_dma source(%dma_start3A_198 : memref<16000x1024xf32, #tpu.memory_space<hbm>>) target(%arg11 : memref<16x1024xf32, #tpu.memory_space<vmem>>) offsets(%dma_start3A_195 : memref<16xi32, #tpu.memory_space<vmem>>) semaphore(%arg18 : memref<!tpu.dma_semaphore, #tpu.memory_space<semaphore_mem>>)
    %dma_wait3A_199 = arith.constant 112 : i32
    %dma_wait3A_200 = tpu.memref_slice %arg5[%dma_wait3A_199] : memref<256xi32, #tpu.memory_space<vmem>> -> memref<16xi32, #tpu.memory_space<vmem>>
    %dma_wait3A_201 = arith.constant 0 : i32
    %dma_wait3A_202 = arith.constant 0 : i32
    %dma_wait3A_203 = tpu.memref_slice %arg3[%dma_wait3A_201, %dma_wait3A_202] : memref<16000x1024xf32, #tpu.memory_space<hbm>> -> memref<16000x1024xf32, #tpu.memory_space<hbm>>
    tpu.wait_indirect_dma semaphore(%arg13 : memref<!tpu.dma_semaphore, #tpu.memory_space<semaphore_mem>>) src(%dma_wait3A_203 : memref<16000x1024xf32, #tpu.memory_space<hbm>>) dst(%arg6 : memref<16x1024xf32, #tpu.memory_space<vmem>>)
    %add3A_204 = arith.constant 112 : i32
    %add3A_205 = arith.addi %mul3A_2, %add3A_204 : i32
    %dma_start3A_206 = arith.constant 0 : i32
    %dma_start3A_207 = tpu.memref_slice %arg4[%add3A_205, %dma_start3A_206] : memref<8192x1024xf32, #tpu.memory_space<hbm>> -> memref<16x1024xf32, #tpu.memory_space<hbm>>
    %dma_start3A_208 = arith.constant 0 : i32
    %dma_start3A_209 = tpu.memref_slice %arg4[%add3A_205, %dma_start3A_208] : memref<8192x1024xf32, #tpu.memory_space<hbm>> -> memref<16x1024xf32, #tpu.memory_space<hbm>>
    tpu.enqueue_dma source(%arg6 : memref<16x1024xf32, #tpu.memory_space<vmem>>) target(%dma_start3A_209 : memref<16x1024xf32, #tpu.memory_space<hbm>>) target_semaphore(%arg20 : memref<!tpu.dma_semaphore, #tpu.memory_space<semaphore_mem>>)
    %dma_wait3A_210 = arith.constant 0 : i32
    %dma_wait3A_211 = tpu.memref_slice %arg4[%add3A_185, %dma_wait3A_210] : memref<8192x1024xf32, #tpu.memory_space<hbm>> -> memref<16x1024xf32, #tpu.memory_space<hbm>>
    %dma_wait3A_212 = arith.constant 0 : i32
    %dma_wait3A_213 = tpu.memref_slice %arg4[%add3A_185, %dma_wait3A_212] : memref<8192x1024xf32, #tpu.memory_space<hbm>> -> memref<16x1024xf32, #tpu.memory_space<hbm>>
    tpu.wait_dma2 semaphore(%arg26 : memref<!tpu.dma_semaphore, #tpu.memory_space<semaphore_mem>>) src(%arg12 : memref<16x1024xf32, #tpu.memory_space<vmem>>) dst(%dma_wait3A_213 : memref<16x1024xf32, #tpu.memory_space<hbm>>)
    %dma_start3A_214 = arith.constant 208 : i32
    %dma_start3A_215 = tpu.memref_slice %arg5[%dma_start3A_214] : memref<256xi32, #tpu.memory_space<vmem>> -> memref<16xi32, #tpu.memory_space<vmem>>
    %dma_start3A_216 = arith.constant 0 : i32
    %dma_start3A_217 = arith.constant 0 : i32
    %dma_start3A_218 = tpu.memref_slice %arg3[%dma_start3A_216, %dma_start3A_217] : memref<16000x1024xf32, #tpu.memory_space<hbm>> -> memref<16000x1024xf32, #tpu.memory_space<hbm>>
    tpu.enqueue_indirect_dma source(%dma_start3A_218 : memref<16000x1024xf32, #tpu.memory_space<hbm>>) target(%arg12 : memref<16x1024xf32, #tpu.memory_space<vmem>>) offsets(%dma_start3A_215 : memref<16xi32, #tpu.memory_space<vmem>>) semaphore(%arg19 : memref<!tpu.dma_semaphore, #tpu.memory_space<semaphore_mem>>)
    %dma_wait3A_219 = arith.constant 128 : i32
    %dma_wait3A_220 = tpu.memref_slice %arg5[%dma_wait3A_219] : memref<256xi32, #tpu.memory_space<vmem>> -> memref<16xi32, #tpu.memory_space<vmem>>
    %dma_wait3A_221 = arith.constant 0 : i32
    %dma_wait3A_222 = arith.constant 0 : i32
    %dma_wait3A_223 = tpu.memref_slice %arg3[%dma_wait3A_221, %dma_wait3A_222] : memref<16000x1024xf32, #tpu.memory_space<hbm>> -> memref<16000x1024xf32, #tpu.memory_space<hbm>>
    tpu.wait_indirect_dma semaphore(%arg14 : memref<!tpu.dma_semaphore, #tpu.memory_space<semaphore_mem>>) src(%dma_wait3A_223 : memref<16000x1024xf32, #tpu.memory_space<hbm>>) dst(%arg7 : memref<16x1024xf32, #tpu.memory_space<vmem>>)
    %add3A_224 = arith.constant 128 : i32
    %add3A_225 = arith.addi %mul3A_2, %add3A_224 : i32
    %dma_start3A_226 = arith.constant 0 : i32
    %dma_start3A_227 = tpu.memref_slice %arg4[%add3A_225, %dma_start3A_226] : memref<8192x1024xf32, #tpu.memory_space<hbm>> -> memref<16x1024xf32, #tpu.memory_space<hbm>>
    %dma_start3A_228 = arith.constant 0 : i32
    %dma_start3A_229 = tpu.memref_slice %arg4[%add3A_225, %dma_start3A_228] : memref<8192x1024xf32, #tpu.memory_space<hbm>> -> memref<16x1024xf32, #tpu.memory_space<hbm>>
    tpu.enqueue_dma source(%arg7 : memref<16x1024xf32, #tpu.memory_space<vmem>>) target(%dma_start3A_229 : memref<16x1024xf32, #tpu.memory_space<hbm>>) target_semaphore(%arg21 : memref<!tpu.dma_semaphore, #tpu.memory_space<semaphore_mem>>)
    %dma_wait3A_230 = arith.constant 0 : i32
    %dma_wait3A_231 = tpu.memref_slice %arg4[%add3A_205, %dma_wait3A_230] : memref<8192x1024xf32, #tpu.memory_space<hbm>> -> memref<16x1024xf32, #tpu.memory_space<hbm>>
    %dma_wait3A_232 = arith.constant 0 : i32
    %dma_wait3A_233 = tpu.memref_slice %arg4[%add3A_205, %dma_wait3A_232] : memref<8192x1024xf32, #tpu.memory_space<hbm>> -> memref<16x1024xf32, #tpu.memory_space<hbm>>
    tpu.wait_dma2 semaphore(%arg20 : memref<!tpu.dma_semaphore, #tpu.memory_space<semaphore_mem>>) src(%arg6 : memref<16x1024xf32, #tpu.memory_space<vmem>>) dst(%dma_wait3A_233 : memref<16x1024xf32, #tpu.memory_space<hbm>>)
    %dma_start3A_234 = arith.constant 224 : i32
    %dma_start3A_235 = tpu.memref_slice %arg5[%dma_start3A_234] : memref<256xi32, #tpu.memory_space<vmem>> -> memref<16xi32, #tpu.memory_space<vmem>>
    %dma_start3A_236 = arith.constant 0 : i32
    %dma_start3A_237 = arith.constant 0 : i32
    %dma_start3A_238 = tpu.memref_slice %arg3[%dma_start3A_236, %dma_start3A_237] : memref<16000x1024xf32, #tpu.memory_space<hbm>> -> memref<16000x1024xf32, #tpu.memory_space<hbm>>
    tpu.enqueue_indirect_dma source(%dma_start3A_238 : memref<16000x1024xf32, #tpu.memory_space<hbm>>) target(%arg6 : memref<16x1024xf32, #tpu.memory_space<vmem>>) offsets(%dma_start3A_235 : memref<16xi32, #tpu.memory_space<vmem>>) semaphore(%arg13 : memref<!tpu.dma_semaphore, #tpu.memory_space<semaphore_mem>>)
    %dma_wait3A_239 = arith.constant 144 : i32
    %dma_wait3A_240 = tpu.memref_slice %arg5[%dma_wait3A_239] : memref<256xi32, #tpu.memory_space<vmem>> -> memref<16xi32, #tpu.memory_space<vmem>>
    %dma_wait3A_241 = arith.constant 0 : i32
    %dma_wait3A_242 = arith.constant 0 : i32
    %dma_wait3A_243 = tpu.memref_slice %arg3[%dma_wait3A_241, %dma_wait3A_242] : memref<16000x1024xf32, #tpu.memory_space<hbm>> -> memref<16000x1024xf32, #tpu.memory_space<hbm>>
    tpu.wait_indirect_dma semaphore(%arg15 : memref<!tpu.dma_semaphore, #tpu.memory_space<semaphore_mem>>) src(%dma_wait3A_243 : memref<16000x1024xf32, #tpu.memory_space<hbm>>) dst(%arg8 : memref<16x1024xf32, #tpu.memory_space<vmem>>)
    %add3A_244 = arith.constant 144 : i32
    %add3A_245 = arith.addi %mul3A_2, %add3A_244 : i32
    %dma_start3A_246 = arith.constant 0 : i32
    %dma_start3A_247 = tpu.memref_slice %arg4[%add3A_245, %dma_start3A_246] : memref<8192x1024xf32, #tpu.memory_space<hbm>> -> memref<16x1024xf32, #tpu.memory_space<hbm>>
    %dma_start3A_248 = arith.constant 0 : i32
    %dma_start3A_249 = tpu.memref_slice %arg4[%add3A_245, %dma_start3A_248] : memref<8192x1024xf32, #tpu.memory_space<hbm>> -> memref<16x1024xf32, #tpu.memory_space<hbm>>
    tpu.enqueue_dma source(%arg8 : memref<16x1024xf32, #tpu.memory_space<vmem>>) target(%dma_start3A_249 : memref<16x1024xf32, #tpu.memory_space<hbm>>) target_semaphore(%arg22 : memref<!tpu.dma_semaphore, #tpu.memory_space<semaphore_mem>>)
    %dma_wait3A_250 = arith.constant 0 : i32
    %dma_wait3A_251 = tpu.memref_slice %arg4[%add3A_225, %dma_wait3A_250] : memref<8192x1024xf32, #tpu.memory_space<hbm>> -> memref<16x1024xf32, #tpu.memory_space<hbm>>
    %dma_wait3A_252 = arith.constant 0 : i32
    %dma_wait3A_253 = tpu.memref_slice %arg4[%add3A_225, %dma_wait3A_252] : memref<8192x1024xf32, #tpu.memory_space<hbm>> -> memref<16x1024xf32, #tpu.memory_space<hbm>>
    tpu.wait_dma2 semaphore(%arg21 : memref<!tpu.dma_semaphore, #tpu.memory_space<semaphore_mem>>) src(%arg7 : memref<16x1024xf32, #tpu.memory_space<vmem>>) dst(%dma_wait3A_253 : memref<16x1024xf32, #tpu.memory_space<hbm>>)
    %dma_start3A_254 = arith.constant 240 : i32
    %dma_start3A_255 = tpu.memref_slice %arg5[%dma_start3A_254] : memref<256xi32, #tpu.memory_space<vmem>> -> memref<16xi32, #tpu.memory_space<vmem>>
    %dma_start3A_256 = arith.constant 0 : i32
    %dma_start3A_257 = arith.constant 0 : i32
    %dma_start3A_258 = tpu.memref_slice %arg3[%dma_start3A_256, %dma_start3A_257] : memref<16000x1024xf32, #tpu.memory_space<hbm>> -> memref<16000x1024xf32, #tpu.memory_space<hbm>>
    tpu.enqueue_indirect_dma source(%dma_start3A_258 : memref<16000x1024xf32, #tpu.memory_space<hbm>>) target(%arg7 : memref<16x1024xf32, #tpu.memory_space<vmem>>) offsets(%dma_start3A_255 : memref<16xi32, #tpu.memory_space<vmem>>) semaphore(%arg14 : memref<!tpu.dma_semaphore, #tpu.memory_space<semaphore_mem>>)
    %dma_wait3A_259 = arith.constant 160 : i32
    %dma_wait3A_260 = tpu.memref_slice %arg5[%dma_wait3A_259] : memref<256xi32, #tpu.memory_space<vmem>> -> memref<16xi32, #tpu.memory_space<vmem>>
    %dma_wait3A_261 = arith.constant 0 : i32
    %dma_wait3A_262 = arith.constant 0 : i32
    %dma_wait3A_263 = tpu.memref_slice %arg3[%dma_wait3A_261, %dma_wait3A_262] : memref<16000x1024xf32, #tpu.memory_space<hbm>> -> memref<16000x1024xf32, #tpu.memory_space<hbm>>
    tpu.wait_indirect_dma semaphore(%arg16 : memref<!tpu.dma_semaphore, #tpu.memory_space<semaphore_mem>>) src(%dma_wait3A_263 : memref<16000x1024xf32, #tpu.memory_space<hbm>>) dst(%arg9 : memref<16x1024xf32, #tpu.memory_space<vmem>>)
    %add3A_264 = arith.constant 160 : i32
    %add3A_265 = arith.addi %mul3A_2, %add3A_264 : i32
    %dma_start3A_266 = arith.constant 0 : i32
    %dma_start3A_267 = tpu.memref_slice %arg4[%add3A_265, %dma_start3A_266] : memref<8192x1024xf32, #tpu.memory_space<hbm>> -> memref<16x1024xf32, #tpu.memory_space<hbm>>
    %dma_start3A_268 = arith.constant 0 : i32
    %dma_start3A_269 = tpu.memref_slice %arg4[%add3A_265, %dma_start3A_268] : memref<8192x1024xf32, #tpu.memory_space<hbm>> -> memref<16x1024xf32, #tpu.memory_space<hbm>>
    tpu.enqueue_dma source(%arg9 : memref<16x1024xf32, #tpu.memory_space<vmem>>) target(%dma_start3A_269 : memref<16x1024xf32, #tpu.memory_space<hbm>>) target_semaphore(%arg23 : memref<!tpu.dma_semaphore, #tpu.memory_space<semaphore_mem>>)
    %dma_wait3A_270 = arith.constant 176 : i32
    %dma_wait3A_271 = tpu.memref_slice %arg5[%dma_wait3A_270] : memref<256xi32, #tpu.memory_space<vmem>> -> memref<16xi32, #tpu.memory_space<vmem>>
    %dma_wait3A_272 = arith.constant 0 : i32
    %dma_wait3A_273 = arith.constant 0 : i32
    %dma_wait3A_274 = tpu.memref_slice %arg3[%dma_wait3A_272, %dma_wait3A_273] : memref<16000x1024xf32, #tpu.memory_space<hbm>> -> memref<16000x1024xf32, #tpu.memory_space<hbm>>
    tpu.wait_indirect_dma semaphore(%arg17 : memref<!tpu.dma_semaphore, #tpu.memory_space<semaphore_mem>>) src(%dma_wait3A_274 : memref<16000x1024xf32, #tpu.memory_space<hbm>>) dst(%arg10 : memref<16x1024xf32, #tpu.memory_space<vmem>>)
    %add3A_275 = arith.constant 176 : i32
    %add3A_276 = arith.addi %mul3A_2, %add3A_275 : i32
    %dma_start3A_277 = arith.constant 0 : i32
    %dma_start3A_278 = tpu.memref_slice %arg4[%add3A_276, %dma_start3A_277] : memref<8192x1024xf32, #tpu.memory_space<hbm>> -> memref<16x1024xf32, #tpu.memory_space<hbm>>
    %dma_start3A_279 = arith.constant 0 : i32
    %dma_start3A_280 = tpu.memref_slice %arg4[%add3A_276, %dma_start3A_279] : memref<8192x1024xf32, #tpu.memory_space<hbm>> -> memref<16x1024xf32, #tpu.memory_space<hbm>>
    tpu.enqueue_dma source(%arg10 : memref<16x1024xf32, #tpu.memory_space<vmem>>) target(%dma_start3A_280 : memref<16x1024xf32, #tpu.memory_space<hbm>>) target_semaphore(%arg24 : memref<!tpu.dma_semaphore, #tpu.memory_space<semaphore_mem>>)
    %dma_wait3A_281 = arith.constant 192 : i32
    %dma_wait3A_282 = tpu.memref_slice %arg5[%dma_wait3A_281] : memref<256xi32, #tpu.memory_space<vmem>> -> memref<16xi32, #tpu.memory_space<vmem>>
    %dma_wait3A_283 = arith.constant 0 : i32
    %dma_wait3A_284 = arith.constant 0 : i32
    %dma_wait3A_285 = tpu.memref_slice %arg3[%dma_wait3A_283, %dma_wait3A_284] : memref<16000x1024xf32, #tpu.memory_space<hbm>> -> memref<16000x1024xf32, #tpu.memory_space<hbm>>
    tpu.wait_indirect_dma semaphore(%arg18 : memref<!tpu.dma_semaphore, #tpu.memory_space<semaphore_mem>>) src(%dma_wait3A_285 : memref<16000x1024xf32, #tpu.memory_space<hbm>>) dst(%arg11 : memref<16x1024xf32, #tpu.memory_space<vmem>>)
    %add3A_286 = arith.constant 192 : i32
    %add3A_287 = arith.addi %mul3A_2, %add3A_286 : i32
    %dma_start3A_288 = arith.constant 0 : i32
    %dma_start3A_289 = tpu.memref_slice %arg4[%add3A_287, %dma_start3A_288] : memref<8192x1024xf32, #tpu.memory_space<hbm>> -> memref<16x1024xf32, #tpu.memory_space<hbm>>
    %dma_start3A_290 = arith.constant 0 : i32
    %dma_start3A_291 = tpu.memref_slice %arg4[%add3A_287, %dma_start3A_290] : memref<8192x1024xf32, #tpu.memory_space<hbm>> -> memref<16x1024xf32, #tpu.memory_space<hbm>>
    tpu.enqueue_dma source(%arg11 : memref<16x1024xf32, #tpu.memory_space<vmem>>) target(%dma_start3A_291 : memref<16x1024xf32, #tpu.memory_space<hbm>>) target_semaphore(%arg25 : memref<!tpu.dma_semaphore, #tpu.memory_space<semaphore_mem>>)
    %dma_wait3A_292 = arith.constant 208 : i32
    %dma_wait3A_293 = tpu.memref_slice %arg5[%dma_wait3A_292] : memref<256xi32, #tpu.memory_space<vmem>> -> memref<16xi32, #tpu.memory_space<vmem>>
    %dma_wait3A_294 = arith.constant 0 : i32
    %dma_wait3A_295 = arith.constant 0 : i32
    %dma_wait3A_296 = tpu.memref_slice %arg3[%dma_wait3A_294, %dma_wait3A_295] : memref<16000x1024xf32, #tpu.memory_space<hbm>> -> memref<16000x1024xf32, #tpu.memory_space<hbm>>
    tpu.wait_indirect_dma semaphore(%arg19 : memref<!tpu.dma_semaphore, #tpu.memory_space<semaphore_mem>>) src(%dma_wait3A_296 : memref<16000x1024xf32, #tpu.memory_space<hbm>>) dst(%arg12 : memref<16x1024xf32, #tpu.memory_space<vmem>>)
    %add3A_297 = arith.constant 208 : i32
    %add3A_298 = arith.addi %mul3A_2, %add3A_297 : i32
    %dma_start3A_299 = arith.constant 0 : i32
    %dma_start3A_300 = tpu.memref_slice %arg4[%add3A_298, %dma_start3A_299] : memref<8192x1024xf32, #tpu.memory_space<hbm>> -> memref<16x1024xf32, #tpu.memory_space<hbm>>
    %dma_start3A_301 = arith.constant 0 : i32
    %dma_start3A_302 = tpu.memref_slice %arg4[%add3A_298, %dma_start3A_301] : memref<8192x1024xf32, #tpu.memory_space<hbm>> -> memref<16x1024xf32, #tpu.memory_space<hbm>>
    tpu.enqueue_dma source(%arg12 : memref<16x1024xf32, #tpu.memory_space<vmem>>) target(%dma_start3A_302 : memref<16x1024xf32, #tpu.memory_space<hbm>>) target_semaphore(%arg26 : memref<!tpu.dma_semaphore, #tpu.memory_space<semaphore_mem>>)
    %dma_wait3A_303 = arith.constant 224 : i32
    %dma_wait3A_304 = tpu.memref_slice %arg5[%dma_wait3A_303] : memref<256xi32, #tpu.memory_space<vmem>> -> memref<16xi32, #tpu.memory_space<vmem>>
    %dma_wait3A_305 = arith.constant 0 : i32
    %dma_wait3A_306 = arith.constant 0 : i32
    %dma_wait3A_307 = tpu.memref_slice %arg3[%dma_wait3A_305, %dma_wait3A_306] : memref<16000x1024xf32, #tpu.memory_space<hbm>> -> memref<16000x1024xf32, #tpu.memory_space<hbm>>
    tpu.wait_indirect_dma semaphore(%arg13 : memref<!tpu.dma_semaphore, #tpu.memory_space<semaphore_mem>>) src(%dma_wait3A_307 : memref<16000x1024xf32, #tpu.memory_space<hbm>>) dst(%arg6 : memref<16x1024xf32, #tpu.memory_space<vmem>>)
    %add3A_308 = arith.constant 224 : i32
    %add3A_309 = arith.addi %mul3A_2, %add3A_308 : i32
    %dma_start3A_310 = arith.constant 0 : i32
    %dma_start3A_311 = tpu.memref_slice %arg4[%add3A_309, %dma_start3A_310] : memref<8192x1024xf32, #tpu.memory_space<hbm>> -> memref<16x1024xf32, #tpu.memory_space<hbm>>
    %dma_start3A_312 = arith.constant 0 : i32
    %dma_start3A_313 = tpu.memref_slice %arg4[%add3A_309, %dma_start3A_312] : memref<8192x1024xf32, #tpu.memory_space<hbm>> -> memref<16x1024xf32, #tpu.memory_space<hbm>>
    tpu.enqueue_dma source(%arg6 : memref<16x1024xf32, #tpu.memory_space<vmem>>) target(%dma_start3A_313 : memref<16x1024xf32, #tpu.memory_space<hbm>>) target_semaphore(%arg20 : memref<!tpu.dma_semaphore, #tpu.memory_space<semaphore_mem>>)
    %dma_wait3A_314 = arith.constant 240 : i32
    %dma_wait3A_315 = tpu.memref_slice %arg5[%dma_wait3A_314] : memref<256xi32, #tpu.memory_space<vmem>> -> memref<16xi32, #tpu.memory_space<vmem>>
    %dma_wait3A_316 = arith.constant 0 : i32
    %dma_wait3A_317 = arith.constant 0 : i32
    %dma_wait3A_318 = tpu.memref_slice %arg3[%dma_wait3A_316, %dma_wait3A_317] : memref<16000x1024xf32, #tpu.memory_space<hbm>> -> memref<16000x1024xf32, #tpu.memory_space<hbm>>
    tpu.wait_indirect_dma semaphore(%arg14 : memref<!tpu.dma_semaphore, #tpu.memory_space<semaphore_mem>>) src(%dma_wait3A_318 : memref<16000x1024xf32, #tpu.memory_space<hbm>>) dst(%arg7 : memref<16x1024xf32, #tpu.memory_space<vmem>>)
    %add3A_319 = arith.constant 240 : i32
    %add3A_320 = arith.addi %mul3A_2, %add3A_319 : i32
    %dma_start3A_321 = arith.constant 0 : i32
    %dma_start3A_322 = tpu.memref_slice %arg4[%add3A_320, %dma_start3A_321] : memref<8192x1024xf32, #tpu.memory_space<hbm>> -> memref<16x1024xf32, #tpu.memory_space<hbm>>
    %dma_start3A_323 = arith.constant 0 : i32
    %dma_start3A_324 = tpu.memref_slice %arg4[%add3A_320, %dma_start3A_323] : memref<8192x1024xf32, #tpu.memory_space<hbm>> -> memref<16x1024xf32, #tpu.memory_space<hbm>>
    tpu.enqueue_dma source(%arg7 : memref<16x1024xf32, #tpu.memory_space<vmem>>) target(%dma_start3A_324 : memref<16x1024xf32, #tpu.memory_space<hbm>>) target_semaphore(%arg21 : memref<!tpu.dma_semaphore, #tpu.memory_space<semaphore_mem>>)
    %dma_wait3A_325 = arith.constant 0 : i32
    %dma_wait3A_326 = tpu.memref_slice %arg4[%add3A_309, %dma_wait3A_325] : memref<8192x1024xf32, #tpu.memory_space<hbm>> -> memref<16x1024xf32, #tpu.memory_space<hbm>>
    %dma_wait3A_327 = arith.constant 0 : i32
    %dma_wait3A_328 = tpu.memref_slice %arg4[%add3A_309, %dma_wait3A_327] : memref<8192x1024xf32, #tpu.memory_space<hbm>> -> memref<16x1024xf32, #tpu.memory_space<hbm>>
    tpu.wait_dma2 semaphore(%arg20 : memref<!tpu.dma_semaphore, #tpu.memory_space<semaphore_mem>>) src(%arg6 : memref<16x1024xf32, #tpu.memory_space<vmem>>) dst(%dma_wait3A_328 : memref<16x1024xf32, #tpu.memory_space<hbm>>)
    %dma_wait3A_329 = arith.constant 0 : i32
    %dma_wait3A_330 = tpu.memref_slice %arg4[%add3A_320, %dma_wait3A_329] : memref<8192x1024xf32, #tpu.memory_space<hbm>> -> memref<16x1024xf32, #tpu.memory_space<hbm>>
    %dma_wait3A_331 = arith.constant 0 : i32
    %dma_wait3A_332 = tpu.memref_slice %arg4[%add3A_320, %dma_wait3A_331] : memref<8192x1024xf32, #tpu.memory_space<hbm>> -> memref<16x1024xf32, #tpu.memory_space<hbm>>
    tpu.wait_dma2 semaphore(%arg21 : memref<!tpu.dma_semaphore, #tpu.memory_space<semaphore_mem>>) src(%arg7 : memref<16x1024xf32, #tpu.memory_space<vmem>>) dst(%dma_wait3A_332 : memref<16x1024xf32, #tpu.memory_space<hbm>>)
    %dma_wait3A_333 = arith.constant 0 : i32
    %dma_wait3A_334 = tpu.memref_slice %arg4[%add3A_245, %dma_wait3A_333] : memref<8192x1024xf32, #tpu.memory_space<hbm>> -> memref<16x1024xf32, #tpu.memory_space<hbm>>
    %dma_wait3A_335 = arith.constant 0 : i32
    %dma_wait3A_336 = tpu.memref_slice %arg4[%add3A_245, %dma_wait3A_335] : memref<8192x1024xf32, #tpu.memory_space<hbm>> -> memref<16x1024xf32, #tpu.memory_space<hbm>>
    tpu.wait_dma2 semaphore(%arg22 : memref<!tpu.dma_semaphore, #tpu.memory_space<semaphore_mem>>) src(%arg8 : memref<16x1024xf32, #tpu.memory_space<vmem>>) dst(%dma_wait3A_336 : memref<16x1024xf32, #tpu.memory_space<hbm>>)
    %dma_wait3A_337 = arith.constant 0 : i32
    %dma_wait3A_338 = tpu.memref_slice %arg4[%add3A_265, %dma_wait3A_337] : memref<8192x1024xf32, #tpu.memory_space<hbm>> -> memref<16x1024xf32, #tpu.memory_space<hbm>>
    %dma_wait3A_339 = arith.constant 0 : i32
    %dma_wait3A_340 = tpu.memref_slice %arg4[%add3A_265, %dma_wait3A_339] : memref<8192x1024xf32, #tpu.memory_space<hbm>> -> memref<16x1024xf32, #tpu.memory_space<hbm>>
    tpu.wait_dma2 semaphore(%arg23 : memref<!tpu.dma_semaphore, #tpu.memory_space<semaphore_mem>>) src(%arg9 : memref<16x1024xf32, #tpu.memory_space<vmem>>) dst(%dma_wait3A_340 : memref<16x1024xf32, #tpu.memory_space<hbm>>)
    %dma_wait3A_341 = arith.constant 0 : i32
    %dma_wait3A_342 = tpu.memref_slice %arg4[%add3A_276, %dma_wait3A_341] : memref<8192x1024xf32, #tpu.memory_space<hbm>> -> memref<16x1024xf32, #tpu.memory_space<hbm>>
    %dma_wait3A_343 = arith.constant 0 : i32
    %dma_wait3A_344 = tpu.memref_slice %arg4[%add3A_276, %dma_wait3A_343] : memref<8192x1024xf32, #tpu.memory_space<hbm>> -> memref<16x1024xf32, #tpu.memory_space<hbm>>
    tpu.wait_dma2 semaphore(%arg24 : memref<!tpu.dma_semaphore, #tpu.memory_space<semaphore_mem>>) src(%arg10 : memref<16x1024xf32, #tpu.memory_space<vmem>>) dst(%dma_wait3A_344 : memref<16x1024xf32, #tpu.memory_space<hbm>>)
    %dma_wait3A_345 = arith.constant 0 : i32
    %dma_wait3A_346 = tpu.memref_slice %arg4[%add3A_287, %dma_wait3A_345] : memref<8192x1024xf32, #tpu.memory_space<hbm>> -> memref<16x1024xf32, #tpu.memory_space<hbm>>
    %dma_wait3A_347 = arith.constant 0 : i32
    %dma_wait3A_348 = tpu.memref_slice %arg4[%add3A_287, %dma_wait3A_347] : memref<8192x1024xf32, #tpu.memory_space<hbm>> -> memref<16x1024xf32, #tpu.memory_space<hbm>>
    tpu.wait_dma2 semaphore(%arg25 : memref<!tpu.dma_semaphore, #tpu.memory_space<semaphore_mem>>) src(%arg11 : memref<16x1024xf32, #tpu.memory_space<vmem>>) dst(%dma_wait3A_348 : memref<16x1024xf32, #tpu.memory_space<hbm>>)
    %dma_wait3A_349 = arith.constant 0 : i32
    %dma_wait3A_350 = tpu.memref_slice %arg4[%add3A_298, %dma_wait3A_349] : memref<8192x1024xf32, #tpu.memory_space<hbm>> -> memref<16x1024xf32, #tpu.memory_space<hbm>>
    %dma_wait3A_351 = arith.constant 0 : i32
    %dma_wait3A_352 = tpu.memref_slice %arg4[%add3A_298, %dma_wait3A_351] : memref<8192x1024xf32, #tpu.memory_space<hbm>> -> memref<16x1024xf32, #tpu.memory_space<hbm>>
    tpu.wait_dma2 semaphore(%arg26 : memref<!tpu.dma_semaphore, #tpu.memory_space<semaphore_mem>>) src(%arg12 : memref<16x1024xf32, #tpu.memory_space<vmem>>) dst(%dma_wait3A_352 : memref<16x1024xf32, #tpu.memory_space<hbm>>)
    return
  }
}

module attributes {stable_mosaic.version = 14 : i64} {
  func.func @_ln_body(%arg0: i32, %arg1: i32, %arg2: memref<1024x1024xf32, #tpu.memory_space<vmem>>, %arg3: memref<1024x1024xf32, #tpu.memory_space<vmem>>, %arg4: memref<4x1024xf32, #tpu.memory_space<vmem>>, %arg5: memref<1x1024xf32, #tpu.memory_space<vmem>>, %arg6: memref<1x1024xf32, #tpu.memory_space<vmem>>, %arg7: memref<1024x1024xf32, #tpu.memory_space<vmem>>) attributes {dimension_semantics = [#tpu.dimension_semantics<arbitrary>, #tpu.dimension_semantics<arbitrary>], iteration_bounds = array<i64: 2, 4>, scalar_prefetch = 0 : i64, scratch_operands = 0 : i64, tpu.core_type = #tpu.core_type<tc>, window_params = [{transform_indices = @transform_0, window_bounds = array<i64: 1024, 1024>}, {transform_indices = @transform_1, window_bounds = array<i64: 1024, 1024>}, {transform_indices = @transform_2, window_bounds = array<i64: 4, 1024>}, {pipeline_mode = #tpu.pipeline_mode<synchronous>, transform_indices = @transform_3, window_bounds = array<i64: 1, 1024>}, {pipeline_mode = #tpu.pipeline_mode<synchronous>, transform_indices = @transform_4, window_bounds = array<i64: 1, 1024>}, {transform_indices = @transform_5, window_bounds = array<i64: 1024, 1024>}]} {
    %get3A = arith.constant 0 : index
    %get3A_0 = arith.constant 0 : index
    %get3A_1 = vector.load %arg2[%get3A, %get3A_0] : memref<1024x1024xf32, #tpu.memory_space<vmem>>, vector<1024x1024xf32>
    %get3A_2 = arith.constant 0 : index
    %get3A_3 = arith.constant 0 : index
    %get3A_4 = vector.load %arg3[%get3A_2, %get3A_3] : memref<1024x1024xf32, #tpu.memory_space<vmem>>, vector<1024x1024xf32>
    %add3A = arith.addf %get3A_1, %get3A_4 : vector<1024x1024xf32>
    %broadcast_in_dim3A = arith.constant 1.000000e+00 : f32
    %broadcast_in_dim3A_5 = vector.broadcast %broadcast_in_dim3A : f32 to vector<1024x1xf32>
    %dot_general3A = arith.constant dense<0.000000e+00> : vector<1024x1xf32>
    %dot_general3A_6 = tpu.matmul %add3A, %broadcast_in_dim3A_5, %dot_general3A {dimension_numbers = #tpu.dot_dimension_numbers<[1], [0], [0], [1], [0, 0, 1, 1], [], []>, transpose_lhs_hint = false} : vector<1024x1024xf32>, vector<1024x1xf32>, vector<1024x1xf32> -> vector<1024x1xf32>
    %mul3A = arith.mulf %add3A, %add3A : vector<1024x1024xf32>
    %dot_general3A_7 = arith.constant dense<0.000000e+00> : vector<1024x1xf32>
    %dot_general3A_8 = tpu.matmul %mul3A, %broadcast_in_dim3A_5, %dot_general3A_7 {dimension_numbers = #tpu.dot_dimension_numbers<[1], [0], [0], [1], [0, 0, 1, 1], [], []>, transpose_lhs_hint = false} : vector<1024x1024xf32>, vector<1024x1xf32>, vector<1024x1xf32> -> vector<1024x1xf32>
    %mul3A_9 = arith.constant 9.765625E-4 : f32
    %mul3A_10 = vector.broadcast %mul3A_9 : f32 to vector<1024x1xf32>
    %mul3A_11 = arith.mulf %dot_general3A_6, %mul3A_10 : vector<1024x1xf32>
    %mul3A_12 = arith.constant 9.765625E-4 : f32
    %mul3A_13 = vector.broadcast %mul3A_12 : f32 to vector<1024x1xf32>
    %mul3A_14 = arith.mulf %dot_general3A_8, %mul3A_13 : vector<1024x1xf32>
    %mul3A_15 = arith.mulf %mul3A_11, %mul3A_11 : vector<1024x1xf32>
    %sub3A = arith.subf %mul3A_14, %mul3A_15 : vector<1024x1xf32>
    %get3A_16 = arith.index_cast %arg1 : i32 to index
    %get3A_17 = arith.constant 0 : index
    %get3A_18 = vector.load %arg4[%get3A_16, %get3A_17] : memref<4x1024xf32, #tpu.memory_space<vmem>>, vector<1x1024xf32>
    %transpose3A = tpu.transpose %get3A_18, [1, 0] : vector<1x1024xf32> -> vector<1024x1xf32>
    %add3A_19 = arith.constant 9.99999974E-6 : f32
    %add3A_20 = vector.broadcast %add3A_19 : f32 to vector<1024x1xf32>
    %add3A_21 = arith.addf %sub3A, %add3A_20 : vector<1024x1xf32>
    %rsqrt3A = math.rsqrt %add3A_21 : vector<1024x1xf32>
    %mul3A_22 = arith.mulf %rsqrt3A, %transpose3A : vector<1024x1xf32>
    %sub3A_23 = vector.broadcast %mul3A_11 : vector<1024x1xf32> to vector<1024x1024xf32>
    %sub3A_24 = arith.subf %add3A, %sub3A_23 : vector<1024x1024xf32>
    %mul3A_25 = vector.broadcast %mul3A_22 : vector<1024x1xf32> to vector<1024x1024xf32>
    %mul3A_26 = arith.mulf %sub3A_24, %mul3A_25 : vector<1024x1024xf32>
    %get3A_27 = arith.constant 0 : index
    %get3A_28 = arith.constant 0 : index
    %get3A_29 = vector.load %arg5[%get3A_27, %get3A_28] : memref<1x1024xf32, #tpu.memory_space<vmem>>, vector<1x1024xf32>
    %mul3A_30 = vector.broadcast %get3A_29 : vector<1x1024xf32> to vector<1024x1024xf32>
    %mul3A_31 = arith.mulf %mul3A_26, %mul3A_30 : vector<1024x1024xf32>
    %get3A_32 = arith.constant 0 : index
    %get3A_33 = arith.constant 0 : index
    %get3A_34 = vector.load %arg6[%get3A_32, %get3A_33] : memref<1x1024xf32, #tpu.memory_space<vmem>>, vector<1x1024xf32>
    %mul3A_35 = vector.broadcast %get3A_34 : vector<1x1024xf32> to vector<1024x1024xf32>
    %mul3A_36 = vector.broadcast %transpose3A : vector<1024x1xf32> to vector<1024x1024xf32>
    %mul3A_37 = arith.mulf %mul3A_35, %mul3A_36 : vector<1024x1024xf32>
    %add3A_38 = arith.addf %mul3A_31, %mul3A_37 : vector<1024x1024xf32>
    %swap3A = arith.constant 0 : index
    %swap3A_39 = arith.constant 0 : index
    %swap3A_40 = vector.load %arg7[%swap3A, %swap3A_39] : memref<1024x1024xf32, #tpu.memory_space<vmem>>, vector<1024x1024xf32>
    tpu.vector_store %arg7[%swap3A, %swap3A_39], %add3A_38 {strides = array<i32>} : memref<1024x1024xf32, #tpu.memory_space<vmem>>, vector<1024x1024xf32>,
    return
  }
  func.func @transform_0(%arg0: i32, %arg1: i32) -> (i32, i32) {
    %mul3A = arith.constant 2 : i32
    %mul3A_0 = arith.muli %arg1, %mul3A : i32
    %add3A = arith.addi %mul3A_0, %arg0 : i32
    %c0_i32 = arith.constant 0 : i32
    %c0_i32_1 = arith.constant 0 : i32
    return %add3A, %c0_i32 : i32, i32
  }
  func.func @transform_1(%arg0: i32, %arg1: i32) -> (i32, i32) {
    %c0_i32 = arith.constant 0 : i32
    %c0_i32_0 = arith.constant 0 : i32
    return %arg0, %c0_i32 : i32, i32
  }
  func.func @transform_2(%arg0: i32, %arg1: i32) -> (i32, i32) {
    %c0_i32 = arith.constant 0 : i32
    %c0_i32_0 = arith.constant 0 : i32
    return %c0_i32, %arg0 : i32, i32
  }
  func.func @transform_3(%arg0: i32, %arg1: i32) -> (i32, i32) {
    %c0_i32 = arith.constant 0 : i32
    %c0_i32_0 = arith.constant 0 : i32
    %c0_i32_1 = arith.constant 0 : i32
    return %c0_i32, %c0_i32_0 : i32, i32
  }
  func.func @transform_4(%arg0: i32, %arg1: i32) -> (i32, i32) {
    %c0_i32 = arith.constant 0 : i32
    %c0_i32_0 = arith.constant 0 : i32
    %c0_i32_1 = arith.constant 0 : i32
    return %c0_i32, %c0_i32_0 : i32, i32
  }
  func.func @transform_5(%arg0: i32, %arg1: i32) -> (i32, i32) {
    %mul3A = arith.constant 2 : i32
    %mul3A_0 = arith.muli %arg1, %mul3A : i32
    %add3A = arith.addi %mul3A_0, %arg0 : i32
    %c0_i32 = arith.constant 0 : i32
    %c0_i32_1 = arith.constant 0 : i32
    return %add3A, %c0_i32 : i32, i32
  }
}

</mosaic_0001>

<sc_bundles>
// kernel: kernel.4.cloned.1.call-start
scs
__scs_entry_jumppad:
0x0: {  	(pc) =	sbr.rel $0x88, $3  }
0x1: {  	(tag) =	ssettag $0x0;
	lr =	simm.s32 $0x1  }
0x2: {  	[smem:$0x3F9B] =	sst lr;
	_ =	strace $0xD0000000  }
0x3: {  	_ = 	snop  }
0x4: {  	_ = 	snop  }
0x5: {  	_ = 	snop  }
0x6: {  	_ = 	snop  }
0x7: {  	_ = 	snop  }
__scs_overlays_trampoline_lowered:
0x8: {  	[smem:$0x3FAA] =	sst s0  }
0x9: {  	[smem:$0x3FAB] =	sst s1  }
0xa: {  	[smem:$0x3FAC] =	sst s2  }
0xb: {  	[smem:$0x3FAD] =	sst s3  }
0xc: {  	[smem:$0x3FAE] =	sst s4  }
0xd: {  	[smem:$0x3FAF] =	sst s5  }
0xe: {  	[smem:$0x3FB0] =	sst s6  }
0xf: {  	[smem:$0x3FB1] =	sst s7  }
0x10: {  	[smem:$0x3FB2] =	sst s8  }
0x11: {  	[smem:$0x3FB3] =	sst s9;
	s0 =	simm.s32 @!p0 $0x0  }
0x12: {  	s1 =	sld [smem:$0x3F99];
	s0 =	simm.s32 @p0 $0x1  }
0x13: {  	[smem:$0x3FB4] =	sst s0;
	s0 =	simm.s32 @!p1 $0x0  }
0x14: {  	s2 =	sld [smem:$0x3F98];
	s0 =	simm.s32 @p1 $0x1  }
0x15: {  	[smem:$0x3FB5] =	sst s0;
	s0 =	simm.s32 @!p2 $0x0  }
0x16: {  	s3 =	sld [smem:$0x3FDB];
	s0 =	simm.s32 @p2 $0x1  }
0x17: {  	s4 =	simm.s32 $0x1BF5;
	[smem:$0x3FB7] =	sst s0  }
0x18: {  	s0 =	sld [smem:$0x3F9A];
	_ =	swait.ge [sflag:s4], $0x0  }
0x19: {  	s7 =	sld [smem:$0x3F9B]  }
0x1a: {  	s8 =	sadd.s32 $0xFFFFE003, lr  }
0x1b: {  	s9 =	sadd.s32 $0xFFFFFEF7, lr;
	s5 =	simm.s32 $0xFFFFFFFF;
	p2 =	slt.u32 s8, $0xFFFFF086  }
0x1c: {  	p1 =	slt.u32 s9, $0xF7A;
	s5 =	simm.s32 @!p2 $0x0  }
0x1d: {  	s5 =	simm.s32 @p1 $0x1;
	p0 =	seq.s32 s7, s2  }
0x1e: {  	s7 =	smul.u32 @!p0 $0xF7A, s2;
	p2 =	seq.s32 @!p0 s5, $0x0  }
0x1f: {  	s9 =	smul.u32 $0xF7A, s1;
	s8 =	simm.s32 @!p0 $0x1BF5;
	p2 =	por !p2, p0  }
0x20: {  	[sflag:s8] =	ssyncset.s32 @!p0 $0xFFFFF086;
	s6 =	sadd.s32 @!p0 s3, s7;
	s7 =	simm.s32 @!p0 $0x108  }
0x21: {  	s3 =	sadd.s32 s3, s9;
	s6 =	sadd.s32 @!p0 $0x88, s6;
	s7 =	simm.s32 @p2 $0x1082  }
0x22: {  	[simem:s7], [sflag:s8] =	dma.local @!p0 [hbm:s6], $0xF7A  }
0x23: {  	s9 =	sor.u32 $0xD0000000, s2;
	s6 =	simm.s32 $0x108;
	_ =	swait.ge @!p0 [sflag:s8], $0x0  }
0x24: {  	s3 =	sadd.s32 $0x88, s3;
	s6 =	simm.s32 @!p1 $0x1082;
	[sflag:s4] =	ssyncset.s32 $0xFFFFF086  }
0x25: {  	[simem:s6], [sflag:s4] =	dma.local [hbm:s3], $0xF7A  }
0x26: {  	[smem:$0x3F9B] =	sst s1;
	(tag) =	ssettag s2;
	_ =	strace s9  }
0x27: {  	s1 =	sld [smem:$0x3FAB]  }
0x28: {  	s2 =	sld [smem:$0x3FAC]  }
0x29: {  	s4 =	sld [smem:$0x3FAE]  }
0x2a: {  	p0 =	seq.s32 s5, $0x0;
	s5 =	sld [smem:$0x3FAF]  }
0x2b: {  	s6 =	sld [smem:$0x3FB0]  }
0x2c: {  	s7 =	sld [smem:$0x3FB1]  }
0x2d: {  	s3 =	simm.s32 $0x108;
	s8 =	sld [smem:$0x3FB2]  }
0x2e: {  	s3 =	simm.s32 @!p0 $0x1082;
	s9 =	sld [smem:$0x3FB3]  }
0x2f: {  	lr =	sadd.s32 s0, s3;
	s0 =	sld [smem:$0x3FAA]  }
0x30: {  	s3 =	sld [smem:$0x3FAD]  }
0x31: {  	[smem:$0x3FB6] =	sst s10  }
0x32: {  	s10 =	sld [smem:$0x3FB4];
	_ =	sdelay $0x3  }
0x33: {  	p0 =	seq.s32 s10, $0x1;
	s10 =	sld [smem:$0x3FB6];
	_ =	sdelay $0x3  }
0x34: {  	[smem:$0x3FB6] =	sst s10  }
0x35: {  	s10 =	sld [smem:$0x3FB5];
	_ =	sdelay $0x3  }
0x36: {  	p1 =	seq.s32 s10, $0x1;
	s10 =	sld [smem:$0x3FB6];
	_ =	sdelay $0x3  }
0x37: {  	[smem:$0x3FB6] =	sst s10  }
0x38: {  	s10 =	sld [smem:$0x3FB7]  }
0x39: {  	_ = 	snop;
	(pc) =	sbr.ind lr, $3  }
0x3a: {  	_ = 	snop  }
0x3b: {  	_ = 	snop  }
0x3c: {  	p2 =	seq.s32 s10, $0x1;
	s10 =	sld [smem:$0x3FB6]  }
0x3d: {  	_ =	shalt  }
0x3e: {  	_ =	shalt  }
0x3f: {  	_ =	shalt  }
0x40: {  	_ =	shalt  }
0x41: {  	_ =	shalt  }
0x42: {  	_ =	shalt  }
0x43: {  	_ =	shalt  }
0x44: {  	_ =	shalt  }
0x45: {  	_ =	shalt  }
0x46: {  	_ =	shalt  }
0x47: {  	_ =	shalt  }
0x48: {  	_ =	shalt  }
0x49: {  	_ =	shalt  }
0x4a: {  	_ =	shalt  }
0x4b: {  	_ =	shalt  }
0x4c: {  	_ =	shalt  }
0x4d: {  	_ =	shalt  }
0x4e: {  	_ =	shalt  }
0x4f: {  	_ =	shalt  }
0x50: {  	_ =	shalt  }
0x51: {  	_ =	shalt  }
0x52: {  	_ =	shalt  }
0x53: {  	_ =	shalt  }
0x54: {  	_ =	shalt  }
0x55: {  	_ =	shalt  }
0x56: {  	_ =	shalt  }
0x57: {  	_ =	shalt  }
0x58: {  	_ =	shalt  }
0x59: {  	_ =	shalt  }
0x5a: {  	_ =	shalt  }
0x5b: {  	_ =	shalt  }
0x5c: {  	_ =	shalt  }
0x5d: {  	_ =	shalt  }
0x5e: {  	_ =	shalt  }
0x5f: {  	_ =	shalt  }
0x60: {  	_ =	shalt  }
0x61: {  	_ =	shalt  }
0x62: {  	_ =	shalt  }
0x63: {  	_ =	shalt  }
0x64: {  	_ =	shalt  }
0x65: {  	_ =	shalt  }
0x66: {  	_ =	shalt  }
0x67: {  	_ =	shalt  }
0x68: {  	_ =	shalt  }
0x69: {  	_ =	shalt  }
0x6a: {  	_ =	shalt  }
0x6b: {  	_ =	shalt  }
0x6c: {  	_ =	shalt  }
0x6d: {  	_ =	shalt  }
0x6e: {  	_ =	shalt  }
0x6f: {  	_ =	shalt  }
0x70: {  	_ =	shalt  }
0x71: {  	_ =	shalt  }
0x72: {  	_ =	shalt  }
0x73: {  	_ =	shalt  }
0x74: {  	_ =	shalt  }
0x75: {  	_ =	shalt  }
0x76: {  	_ =	shalt  }
0x77: {  	_ =	shalt  }
0x78: {  	_ =	shalt  }
0x79: {  	_ =	shalt  }
0x7a: {  	_ =	shalt  }
0x7b: {  	_ =	shalt  }
0x7c: {  	_ =	shalt  }
0x7d: {  	_ =	shalt  }
0x7e: {  	_ =	shalt  }
0x7f: {  	_ =	shalt  }
0x80: {  	_ =	shalt  }
0x81: {  	_ =	shalt  }
0x82: {  	_ =	shalt  }
0x83: {  	_ =	shalt  }
0x84: {  	_ =	shalt  }
0x85: {  	_ =	shalt  }
0x86: {  	_ =	shalt  }
0x87: {  	_ =	shalt  }
.Lfunc_end0:
.L_simem_size_0:
called_computation_lowered:
.L_overlay_start_0:
0x88: {  	s2 =	sld [smem:$0x3FD9]  }
0x89: {  	s3 =	sld [smem:$0x3FFE];
	_ =	sdelay $0x1  }
0x8a: {  	s1 =	srdreg.scid  }
0x8b: {  	s0 =	sand.u32 $0x1, s1  }
0x8c: {  	s17 =	sshll.u32 s0, $0xA;
	s2 =	sadd.s32 s3, s2  }
0x8d: {  	s2 =	sadd.s32 s2, s17  }
0x8e: {  	[smem:$0x3FC2] =	sst s2  }
0x8f: {  	_ = 	snop  }
0x90: {  	s2 =	sld [smem:$0x3FC9]  }
0x91: {  	s18 =	sld [smem:$0x3FC7];
	(tm) =	ssettm $0x1  }
0x92: {  	s4 =	sld [smem:$0x3FFB];
	_ =	sdelay $0x3  }
0x93: {  	_ =	strace s4  }
0x94: {  	s4 =	sld [smem:$0x3FFC];
	_ =	sdelay $0x3  }
0x95: {  	_ =	strace s4  }
0x96: {  	s4 =	sld [smem:$0x3FFD];
	_ =	sdelay $0x3  }
0x97: {  	_ =	strace s4  }
0x98: {  	_ =	strace $0x8FFFFFFF  }
0x99: {  	s19 =	sld [smem:$0x3FDB];
	_ =	sdelay $0x1  }
0x9a: {  	s5 =	simm.s32 $_scs_section_size  }
0x9b: {  	s6 =	simm.s32 $_size__tile_overlayer_lowered;
	s7 =	simm.s32 $_tile_overlayer_lowered  }
0x9c: {  	s22 =	simm.s32 $0x1BFF;
	s21 =	sshll.u32 s7, $0x1;
	s4 =	sadd.s32 s5, s19  }
0x9d: {  	s8 =	simm.s32 $0x0;
	s20 =	sshll.u32 s6, $0x1;
	s6 =	sadd.s32 s21, s4  }
0x9e: {  	[timem:s8], [sflag:s22] =	dma.local [hbm:s6], s20  }
0x9f: {  	_ =	swait.ge [sflag:s22], s20  }
0xa0: {  	s5 =	ssub.s32 $0x0, s20;
	[sflag:s22] =	ssyncset.done $0x0  }
0xa1: {  	[sflag:s22] =	ssyncadd.s32 s5;
	_ =	sdelay $0x1  }
0xa2: {  	s23 =	simm.s32 $0x1B8B  }
0xa3: {  	_ =	swait.ge [sflag:s23], $0x1  }
0xa4: {  	[sflag:s23] =	ssyncset.done $0x0  }
0xa5: {  	s25 =	simm.s32 $0x1B8E;
	s24 =	sld [smem:$0x3FFE];
	[sflag:s23] =	ssyncadd.s32 $0xFFFFFFFF  }
0xa6: {  	s26 =	simm.s32 $execute0_lowered;
	[smem:$0x3FD2] =	sst s25  }
0xa7: {  	s6 =	sshll.u32 s26, $0x1;
	_ =	strace $0x80000046;
	[dreg:$0x1] =	wrdreg $0xFFFFFFFF  }
0xa8: {  	s28 =	simm.s32 $_size_execute0_lowered;
	s4 =	sadd.s32 s4, s6;
	[dreg:$0x0] =	wrdreg $0x0  }
0xa9: {  	s6 =	sshll.u32 s28, $0x1;
	[dreg:$0x2] =	wrdreg s4  }
0xaa: {  	[dreg:$0x3] =	wrdreg s6  }
0xab: {  	[dreg:$0x4] =	wrdreg $0xC0  }
0xac: {  	_ =	task [dreg:s8], $0x5FFFF  }
0xad: {  	[dreg:$0x1] =	wrdreg $0xFFFFFFFF  }
0xae: {  	[dreg:$0x0] =	wrdreg $0x60  }
0xaf: {  	[dreg:$0x2] =	wrdreg s2  }
0xb0: {  	[dreg:$0x3] =	wrdreg s18  }
0xb1: {  	[dreg:$0x4] =	wrdreg s24  }
0xb2: {  	[dreg:$0x5] =	wrdreg $0x9  }
0xb3: {  	_ =	task.clear_ibuf [dreg:s8], $0x6FFFF;
	_ =	strace $0x90000046  }
0xb4: {  	s29 =	simm.s32 $0x9;
	_ =	strace $0x80000048  }
0xb5: {  	_ =	swait.ge [sflag:s29], $0x1  }
0xb6: {  	[sflag:s29] =	ssyncadd.s32 $0xFFFFFFFF  }
0xb7: {  	_ =	strace $0x90000048  }
0xb8: {  	_ =	sfence  }
0xb9: {  	s30 =	sld [smem:$0x0];
	_ =	sdelay $0x2  }
0xba: {  	s31 =	sshll.u32 s1, $0xD;
	s1 =	sshrl.u32 s1, $0x2  }
0xbb: {  	s3 =	sand.u32 $0x4000, s31;
	s1 =	sadd.s32 s1, s30  }
0xbc: {  	s0 =	sor.u32 s3, s0;
	s1 =	sshll.u32 s1, $0x11  }
0xbd: {  	s0 =	sor.u32 s1, s0  }
0xbe: {  	s0 =	sadd.s32 $0x8F2B, s0  }
0xbf: {  	[sflag:s0] =	ssyncadd.remote.s32 $0x1  }
0xc0: {  	_ =	sfence.sel $0xFFFF  }
0xc1: {  	[dreg:$0x0] =	wrdreg $0xFFFFFFFF;
	(pc) =	sbr.abs _section_cstart, $3  }
0xc2: {  	[dreg:$0x1] =	wrdreg $0xFFFFFFFF  }
0xc3: {  	_ =	task.clear_ibuf [dreg:s8], $0x2FFFF;
	_ =	strace $0x9FFFFFFF  }
0xc4: {  	(tm) =	ssettm $0x7FFFFFFF  }
0xc5: {  	_ =	shalt  }
tec
execute0_lowered:
.L_overlay_start_1:
0x0: {  	(tag) =	ssettag $0x1  }
0x1: {  	s0 =	rddreg [dreg:$0x0]  }
0x2: {  	s2 =	rddreg [dreg:$0x1]  }
0x3: {  	s1 =	rddreg [dreg:$0x2]  }
0x4: {  	s3 =	srdreg.scid;
	s6 =	stileid.u32  }
0x5: {  	s26 =	simm.s32 $0x80;
	s31 =	simm.s32 $0x200;
	s4 =	sand.u32 $0x1, s3  }
0x6: {  	s5 =	sshll.u32 s6, $0x1;
	s3 =	simm.s32 $0x0;
	s6 =	sshll.u32 s6, $0x2  }
0x7: {  	s5 =	sor.u32 s4, s5;
	[smem:$0x7FF] =	sst s3;
	s6 =	sand.u32 $0x30, s6  }
0x8: {  	s7 =	sshll.u32 s5, $0x7;
	s5 =	sshll.u32 s5, $0xF;
	s0 =	sadd.s32 s0, s6  }
0x9: {  	_ =	strace $0x80000047;
	[dreg:$0x15] =	wrdreg s26;
	s7 =	sand.u32 $0x380, s7  }
0xa: {  	[dreg:$0x16] =	wrdreg s31;
	s1 =	sadd.s32 s5, s1;
	s0 =	sadd.s32 s7, s0  }
0xb: {  	s8 =	sadd.s32 $0xC00, s1;
	[dreg:$0x4] =	wrdreg s0  }
0xc: {  	s9 =	sadd.s32 $0x1400, s1;
	[dreg:$0x5] =	wrdreg s8  }
0xd: {  	s10 =	sadd.s32 $0x1C00, s1;
	[dreg:$0x6] =	wrdreg s9  }
0xe: {  	s11 =	sadd.s32 $0x2400, s1;
	[dreg:$0x7] =	wrdreg s10  }
0xf: {  	s12 =	sadd.s32 $0x2C00, s1;
	[dreg:$0x8] =	wrdreg s11  }
0x10: {  	s30 =	simm.s32 $0x2;
	s13 =	sadd.s32 $0x3400, s1;
	[dreg:$0x9] =	wrdreg s12  }
0x11: {  	s28 =	simm.s32 $0x8;
	s14 =	sadd.s32 $0x3C00, s1;
	[dreg:$0xa] =	wrdreg s13  }
0x12: {  	s29 =	simm.s32 $0xB100;
	s15 =	sadd.s32 $0x4400, s1;
	[dreg:$0xb] =	wrdreg s14  }
0x13: {  	s4 =	ssub.s32 $0x2, s4;
	s16 =	sadd.s32 $0x4C00, s1;
	[dreg:$0xc] =	wrdreg s15  }
0x14: {  	s20 =	sshrl.u32 s4, $0x1;
	s17 =	sadd.s32 $0x5400, s1;
	[dreg:$0xd] =	wrdreg s16  }
0x15: {  	s6 =	sadd.s32 $0x300, s2;
	s18 =	sadd.s32 $0x5C00, s1;
	[dreg:$0xe] =	wrdreg s17  }
0x16: {  	s26 =	simm.s32 $0xA900;
	s19 =	sadd.s32 $0x6400, s1;
	[dreg:$0xf] =	wrdreg s18  }
0x17: {  	s22 =	ssub.s32 s4, s20;
	s21 =	sadd.s32 $0x6C00, s1;
	[dreg:$0x10] =	wrdreg s19  }
0x18: {  	s4 =	sadd.s32 $0x100, s2;
	s23 =	sadd.s32 $0x7400, s1;
	[dreg:$0x11] =	wrdreg s21  }
0x19: {  	s5 =	sadd.s32 $0x200, s2;
	s24 =	sadd.s32 $0x7C00, s1;
	[dreg:$0x12] =	wrdreg s23  }
0x1a: {  	v2 =	vlaneseq.u32;
	s25 =	sadd.s32 $0x8400, s1;
	s7 =	smax.u32 s22, $0x1;
	[dreg:$0x13] =	wrdreg s24  }
0x1b: {  	vm0 =	vmmov $0xffff;
	v1 =	vshrl.u32 v2, $0x3;
	[dreg:$0x14] =	wrdreg s25;
	s24 =	simm.s32 $0x1;
	s10 =	simm.s32 $0x9  }
0x1c: {  	v0 =	vand.u32 $0x7, v2;
	v2 =	vor.u32 $0x8, v2;
	v1 =	vmul.u32 $0x8, v1;
	s17 =	simm.s32 $0x100;
	s8 =	simm.s32 $0x4100;
	s9 =	simm.s32 $0x18100  }
.LBB2_1:
0x1d: {  	s21 =	rddreg [dreg:$0x4]  }
0x1e: {  	s22 =	rddreg [dreg:$0x15]  }
0x1f: {  	s23 =	rddreg [dreg:$0x16];
	s16 =	simm.s32 $0xF  }
0x20: {  	[tilespmem:s3], [sflag:$0xF] =	stream.strided.gather [hbm4b:s21+s22], $0x100, s23, s22, $0x38;
	[tilespmem:$0x1C100] =	vst v63  }
0x21: {  	_ =	swait.ge [sflag:s16], $0x100  }
0x22: {  	[sflag:s16] =	ssyncset.done $0x0  }
0x23: {  	[sflag:s16] =	ssyncadd.s32 $0xFFFFFF00  }
0x24: {  	v3 =	vld [tilespmem:$0x0];
	_ =	sdelay $0x4  }
0x25: {  	v4 =	vshll.u32 v3, $0x3  }
0x26: {  	v3 =	vand.u32 $0x7, v3;
	v4 =	vand.u32 $0xFFFFFFC0, v4  }
0x27: {  	v3 =	vor.u32 v3, v4  }
0x28: {  	v4 =	vperm.xlane v3, v0;
	_ =	sdelay $0x1  }
0x29: {  	v4 =	vadd.s32 v1, v4;
	_ =	sdelay $0x4  }
0x2a: {  	[tilespmem:s17], [sflag:$0x1] =	stream.indirect_vreg.gather [hbm4b:s2+s3], $0x80, v4, vm0, $0xb8;
	[tilespmem:$0x1C100] =	vst v63  }
0x2b: {  	s0 =	simm.s32 $0x900;
	v3 =	vperm.xlane v3, v2  }
0x2c: {  	[tilespmem:s0], [sflag:$0x1] =	stream.indirect_vreg.gather [hbm4b:s4+s3], $0x80, v4, vm0, $0xb8;
	[tilespmem:$0x1C100] =	vst v63  }
0x2d: {  	s18 =	simm.s32 $0x1100;
	v3 =	vadd.s32 v1, v3  }
0x2e: {  	[tilespmem:s18], [sflag:$0x1] =	stream.indirect_vreg.gather [hbm4b:s5+s3], $0x80, v4, vm0, $0xb8;
	[tilespmem:$0x1C100] =	vst v63  }
0x2f: {  	s19 =	simm.s32 $0x1900  }
0x30: {  	[tilespmem:s19], [sflag:$0x1] =	stream.indirect_vreg.gather [hbm4b:s6+s3], $0x80, v4, vm0, $0xb8;
	[tilespmem:$0x1C100] =	vst v63  }
0x31: {  	s20 =	simm.s32 $0x2100  }
0x32: {  	[tilespmem:s20], [sflag:$0x1] =	stream.indirect_vreg.gather [hbm4b:s2+s3], $0x80, v3, vm0, $0xb8;
	[tilespmem:$0x1C100] =	vst v63  }
0x33: {  	s21 =	simm.s32 $0x2900  }
0x34: {  	[tilespmem:s21], [sflag:$0x1] =	stream.indirect_vreg.gather [hbm4b:s4+s3], $0x80, v3, vm0, $0xb8;
	[tilespmem:$0x1C100] =	vst v63  }
0x35: {  	s22 =	simm.s32 $0x3100  }
0x36: {  	[tilespmem:s22], [sflag:$0x1] =	stream.indirect_vreg.gather [hbm4b:s5+s3], $0x80, v3, vm0, $0xb8;
	[tilespmem:$0x1C100] =	vst v63  }
0x37: {  	s23 =	simm.s32 $0x3900  }
0x38: {  	[tilespmem:s23], [sflag:$0x1] =	stream.indirect_vreg.gather [hbm4b:s6+s3], $0x80, v3, vm0, $0xb8;
	[tilespmem:$0x1C100] =	vst v63  }
0x39: {  	v3 =	vld [tilespmem:$0x10];
	_ =	sdelay $0x4  }
0x3a: {  	v49 =	vshll.u32 v3, $0x3  }
0x3b: {  	v3 =	vand.u32 $0x7, v3;
	v4 =	vand.u32 $0xFFFFFFC0, v49  }
0x3c: {  	v3 =	vor.u32 v3, v4  }
0x3d: {  	v4 =	vperm.xlane v3, v0;
	_ =	sdelay $0x1  }
0x3e: {  	v4 =	vadd.s32 v1, v4;
	_ =	sdelay $0x4  }
0x3f: {  	[tilespmem:s8], [sflag:$0x2] =	stream.indirect_vreg.gather [hbm4b:s2+s3], $0x80, v4, vm0, $0xb8;
	[tilespmem:$0x1C100] =	vst v63  }
0x40: {  	s25 =	simm.s32 $0x4900;
	v3 =	vperm.xlane v3, v2  }
0x41: {  	[tilespmem:s25], [sflag:$0x2] =	stream.indirect_vreg.gather [hbm4b:s4+s3], $0x80, v4, vm0, $0xb8;
	[tilespmem:$0x1C100] =	vst v63  }
0x42: {  	s11 =	simm.s32 $0x5100;
	v3 =	vadd.s32 v1, v3  }
0x43: {  	[tilespmem:s11], [sflag:$0x2] =	stream.indirect_vreg.gather [hbm4b:s5+s3], $0x80, v4, vm0, $0xb8;
	[tilespmem:$0x1C100] =	vst v63  }
0x44: {  	s12 =	simm.s32 $0x5900  }
0x45: {  	[tilespmem:s12], [sflag:$0x2] =	stream.indirect_vreg.gather [hbm4b:s6+s3], $0x80, v4, vm0, $0xb8;
	[tilespmem:$0x1C100] =	vst v63  }
0x46: {  	s13 =	simm.s32 $0x6100  }
0x47: {  	[tilespmem:s13], [sflag:$0x2] =	stream.indirect_vreg.gather [hbm4b:s2+s3], $0x80, v3, vm0, $0xb8;
	[tilespmem:$0x1C100] =	vst v63  }
0x48: {  	s14 =	simm.s32 $0x6900  }
0x49: {  	[tilespmem:s14], [sflag:$0x2] =	stream.indirect_vreg.gather [hbm4b:s4+s3], $0x80, v3, vm0, $0xb8;
	[tilespmem:$0x1C100] =	vst v63  }
0x4a: {  	s15 =	simm.s32 $0x7100  }
0x4b: {  	[tilespmem:s15], [sflag:$0x2] =	stream.indirect_vreg.gather [hbm4b:s5+s3], $0x80, v3, vm0, $0xb8;
	[tilespmem:$0x1C100] =	vst v63  }
0x4c: {  	s16 =	simm.s32 $0x7900  }
0x4d: {  	[tilespmem:s16], [sflag:$0x2] =	stream.indirect_vreg.gather [hbm4b:s6+s3], $0x80, v3, vm0, $0xb8;
	[tilespmem:$0x1C100] =	vst v63  }
0x4e: {  	v3 =	vld [tilespmem:$0x20];
	_ =	sdelay $0x4  }
0x4f: {  	v50 =	vshll.u32 v3, $0x3  }
0x50: {  	v3 =	vand.u32 $0x7, v3;
	v4 =	vand.u32 $0xFFFFFFC0, v50  }
0x51: {  	v3 =	vor.u32 v3, v4  }
0x52: {  	v4 =	vperm.xlane v3, v0;
	_ =	sdelay $0x1  }
0x53: {  	v4 =	vadd.s32 v1, v4;
	_ =	sdelay $0x3  }
0x54: {  	s18 =	simm.s32 $0x8100  }
0x55: {  	[tilespmem:s18], [sflag:$0x3] =	stream.indirect_vreg.gather [hbm4b:s2+s3], $0x80, v4, vm0, $0xb8;
	[tilespmem:$0x1C100] =	vst v63  }
0x56: {  	s13 =	simm.s32 $0x8900;
	v3 =	vperm.xlane v3, v2  }
0x57: {  	[tilespmem:s13], [sflag:$0x3] =	stream.indirect_vreg.gather [hbm4b:s4+s3], $0x80, v4, vm0, $0xb8;
	[tilespmem:$0x1C100] =	vst v63  }
0x58: {  	s12 =	simm.s32 $0x9100;
	v3 =	vadd.s32 v1, v3  }
0x59: {  	[tilespmem:s12], [sflag:$0x3] =	stream.indirect_vreg.gather [hbm4b:s5+s3], $0x80, v4, vm0, $0xb8;
	[tilespmem:$0x1C100] =	vst v63  }
0x5a: {  	s16 =	simm.s32 $0x9900  }
0x5b: {  	[tilespmem:s16], [sflag:$0x3] =	stream.indirect_vreg.gather [hbm4b:s6+s3], $0x80, v4, vm0, $0xb8;
	[tilespmem:$0x1C100] =	vst v63  }
0x5c: {  	s25 =	simm.s32 $0xA100  }
0x5d: {  	[tilespmem:s25], [sflag:$0x3] =	stream.indirect_vreg.gather [hbm4b:s2+s3], $0x80, v3, vm0, $0xb8;
	[tilespmem:$0x1C100] =	vst v63  }
0x5e: {  	_ = 	snop  }
0x5f: {  	[tilespmem:s26], [sflag:$0x3] =	stream.indirect_vreg.gather [hbm4b:s4+s3], $0x80, v3, vm0, $0xb8;
	[tilespmem:$0x1C100] =	vst v63  }
0x60: {  	_ = 	snop  }
0x61: {  	[tilespmem:s29], [sflag:$0x3] =	stream.indirect_vreg.gather [hbm4b:s5+s3], $0x80, v3, vm0, $0xb8;
	[tilespmem:$0x1C100] =	vst v63  }
0x62: {  	s11 =	simm.s32 $0xB900  }
0x63: {  	[tilespmem:s11], [sflag:$0x3] =	stream.indirect_vreg.gather [hbm4b:s6+s3], $0x80, v3, vm0, $0xb8;
	[tilespmem:$0x1C100] =	vst v63  }
0x64: {  	v3 =	vld [tilespmem:$0x30];
	_ =	sdelay $0x4  }
0x65: {  	v51 =	vshll.u32 v3, $0x3  }
0x66: {  	v3 =	vand.u32 $0x7, v3;
	v4 =	vand.u32 $0xFFFFFFC0, v51  }
0x67: {  	v3 =	vor.u32 v3, v4  }
0x68: {  	v4 =	vperm.xlane v3, v0;
	_ =	sdelay $0x1  }
0x69: {  	v4 =	vadd.s32 v1, v4;
	_ =	sdelay $0x3  }
0x6a: {  	s19 =	simm.s32 $0xC100  }
0x6b: {  	[tilespmem:s19], [sflag:$0x4] =	stream.indirect_vreg.gather [hbm4b:s2+s3], $0x80, v4, vm0, $0xb8;
	[tilespmem:$0x1C100] =	vst v63  }
0x6c: {  	s20 =	simm.s32 $0xC900;
	v3 =	vperm.xlane v3, v2  }
0x6d: {  	[tilespmem:s20], [sflag:$0x4] =	stream.indirect_vreg.gather [hbm4b:s4+s3], $0x80, v4, vm0, $0xb8;
	[tilespmem:$0x1C100] =	vst v63  }
0x6e: {  	s23 =	simm.s32 $0xD100;
	v3 =	vadd.s32 v1, v3  }
0x6f: {  	[tilespmem:s23], [sflag:$0x4] =	stream.indirect_vreg.gather [hbm4b:s5+s3], $0x80, v4, vm0, $0xb8;
	[tilespmem:$0x1C100] =	vst v63  }
0x70: {  	s21 =	simm.s32 $0xD900  }
0x71: {  	[tilespmem:s21], [sflag:$0x4] =	stream.indirect_vreg.gather [hbm4b:s6+s3], $0x80, v4, vm0, $0xb8;
	[tilespmem:$0x1C100] =	vst v63  }
0x72: {  	s22 =	simm.s32 $0xE100  }
0x73: {  	[tilespmem:s22], [sflag:$0x4] =	stream.indirect_vreg.gather [hbm4b:s2+s3], $0x80, v3, vm0, $0xb8;
	[tilespmem:$0x1C100] =	vst v63  }
0x74: {  	s18 =	simm.s32 $0xE900  }
0x75: {  	[tilespmem:s18], [sflag:$0x4] =	stream.indirect_vreg.gather [hbm4b:s4+s3], $0x80, v3, vm0, $0xb8;
	[tilespmem:$0x1C100] =	vst v63  }
0x76: {  	s19 =	simm.s32 $0xF100  }
0x77: {  	[tilespmem:s19], [sflag:$0x4] =	stream.indirect_vreg.gather [hbm4b:s5+s3], $0x80, v3, vm0, $0xb8;
	[tilespmem:$0x1C100] =	vst v63  }
0x78: {  	s20 =	simm.s32 $0xF900  }
0x79: {  	[tilespmem:s20], [sflag:$0x4] =	stream.indirect_vreg.gather [hbm4b:s6+s3], $0x80, v3, vm0, $0xb8;
	[tilespmem:$0x1C100] =	vst v63  }
0x7a: {  	v3 =	vld [tilespmem:$0x40];
	_ =	sdelay $0x4  }
0x7b: {  	v52 =	vshll.u32 v3, $0x3  }
0x7c: {  	v3 =	vand.u32 $0x7, v3;
	v4 =	vand.u32 $0xFFFFFFC0, v52  }
0x7d: {  	v3 =	vor.u32 v3, v4  }
0x7e: {  	v4 =	vperm.xlane v3, v0;
	_ =	sdelay $0x1  }
0x7f: {  	v4 =	vadd.s32 v1, v4;
	_ =	sdelay $0x3  }
0x80: {  	s14 =	simm.s32 $0x10100  }
0x81: {  	[tilespmem:s14], [sflag:$0x5] =	stream.indirect_vreg.gather [hbm4b:s2+s3], $0x80, v4, vm0, $0xb8;
	[tilespmem:$0x1C100] =	vst v63  }
0x82: {  	s15 =	simm.s32 $0x10900;
	v3 =	vperm.xlane v3, v2  }
0x83: {  	[tilespmem:s15], [sflag:$0x5] =	stream.indirect_vreg.gather [hbm4b:s4+s3], $0x80, v4, vm0, $0xb8;
	[tilespmem:$0x1C100] =	vst v63  }
0x84: {  	s21 =	simm.s32 $0x11100;
	v3 =	vadd.s32 v1, v3  }
0x85: {  	[tilespmem:s21], [sflag:$0x5] =	stream.indirect_vreg.gather [hbm4b:s5+s3], $0x80, v4, vm0, $0xb8;
	[tilespmem:$0x1C100] =	vst v63  }
0x86: {  	s22 =	simm.s32 $0x11900  }
0x87: {  	[tilespmem:s22], [sflag:$0x5] =	stream.indirect_vreg.gather [hbm4b:s6+s3], $0x80, v4, vm0, $0xb8;
	[tilespmem:$0x1C100] =	vst v63  }
0x88: {  	s14 =	simm.s32 $0x12100  }
0x89: {  	[tilespmem:s14], [sflag:$0x5] =	stream.indirect_vreg.gather [hbm4b:s2+s3], $0x80, v3, vm0, $0xb8;
	[tilespmem:$0x1C100] =	vst v63  }
0x8a: {  	s15 =	simm.s32 $0x12900  }
0x8b: {  	[tilespmem:s15], [sflag:$0x5] =	stream.indirect_vreg.gather [hbm4b:s4+s3], $0x80, v3, vm0, $0xb8;
	[tilespmem:$0x1C100] =	vst v63  }
0x8c: {  	s21 =	simm.s32 $0x13100  }
0x8d: {  	[tilespmem:s21], [sflag:$0x5] =	stream.indirect_vreg.gather [hbm4b:s5+s3], $0x80, v3, vm0, $0xb8;
	[tilespmem:$0x1C100] =	vst v63  }
0x8e: {  	s22 =	simm.s32 $0x13900  }
0x8f: {  	[tilespmem:s22], [sflag:$0x5] =	stream.indirect_vreg.gather [hbm4b:s6+s3], $0x80, v3, vm0, $0xb8;
	[tilespmem:$0x1C100] =	vst v63  }
0x90: {  	v3 =	vld [tilespmem:$0x50];
	_ =	sdelay $0x4  }
0x91: {  	v53 =	vshll.u32 v3, $0x3  }
0x92: {  	v3 =	vand.u32 $0x7, v3;
	v4 =	vand.u32 $0xFFFFFFC0, v53  }
0x93: {  	v3 =	vor.u32 v3, v4  }
0x94: {  	v4 =	vperm.xlane v3, v0;
	_ =	sdelay $0x1  }
0x95: {  	v4 =	vadd.s32 v1, v4;
	_ =	sdelay $0x3  }
0x96: {  	s22 =	simm.s32 $0x14100  }
0x97: {  	[tilespmem:s22], [sflag:$0x6] =	stream.indirect_vreg.gather [hbm4b:s2+s3], $0x80, v4, vm0, $0xb8;
	[tilespmem:$0x1C100] =	vst v63  }
0x98: {  	s14 =	simm.s32 $0x14900;
	v3 =	vperm.xlane v3, v2  }
0x99: {  	[tilespmem:s14], [sflag:$0x6] =	stream.indirect_vreg.gather [hbm4b:s4+s3], $0x80, v4, vm0, $0xb8;
	[tilespmem:$0x1C100] =	vst v63  }
0x9a: {  	s15 =	simm.s32 $0x15100;
	v3 =	vadd.s32 v1, v3  }
0x9b: {  	[tilespmem:s15], [sflag:$0x6] =	stream.indirect_vreg.gather [hbm4b:s5+s3], $0x80, v4, vm0, $0xb8;
	[tilespmem:$0x1C100] =	vst v63  }
0x9c: {  	s21 =	simm.s32 $0x15900  }
0x9d: {  	[tilespmem:s21], [sflag:$0x6] =	stream.indirect_vreg.gather [hbm4b:s6+s3], $0x80, v4, vm0, $0xb8;
	[tilespmem:$0x1C100] =	vst v63  }
0x9e: {  	s14 =	simm.s32 $0x16100  }
0x9f: {  	[tilespmem:s14], [sflag:$0x6] =	stream.indirect_vreg.gather [hbm4b:s2+s3], $0x80, v3, vm0, $0xb8;
	[tilespmem:$0x1C100] =	vst v63  }
0xa0: {  	s15 =	simm.s32 $0x16900  }
0xa1: {  	[tilespmem:s15], [sflag:$0x6] =	stream.indirect_vreg.gather [hbm4b:s4+s3], $0x80, v3, vm0, $0xb8;
	[tilespmem:$0x1C100] =	vst v63  }
0xa2: {  	s21 =	simm.s32 $0x17100  }
0xa3: {  	[tilespmem:s21], [sflag:$0x6] =	stream.indirect_vreg.gather [hbm4b:s5+s3], $0x80, v3, vm0, $0xb8;
	[tilespmem:$0x1C100] =	vst v63  }
0xa4: {  	s14 =	simm.s32 $0x17900  }
0xa5: {  	[tilespmem:s14], [sflag:$0x6] =	stream.indirect_vreg.gather [hbm4b:s6+s3], $0x80, v3, vm0, $0xb8;
	[tilespmem:$0x1C100] =	vst v63  }
0xa6: {  	_ =	swait.ge [sflag:s24], $0x4000  }
0xa7: {  	[sflag:s24] =	ssyncset.done $0x0  }
0xa8: {  	s15 =	rddreg [dreg:$0x5];
	[sflag:s24] =	ssyncadd.s32 $0xFFFFC000  }
0xa9: {  	[hbm4b:s15+s3] =	stream.linear.scatter [tilespmem:s17], [sflag:$0x8], $0x4000, $0x38;
	[tilespmem:$0x1C100] =	vst v63  }
0xaa: {  	v3 =	vld [tilespmem:$0x60];
	_ =	sdelay $0x4  }
0xab: {  	v54 =	vshll.u32 v3, $0x3  }
0xac: {  	v3 =	vand.u32 $0x7, v3;
	v4 =	vand.u32 $0xFFFFFFC0, v54  }
0xad: {  	v3 =	vor.u32 v3, v4  }
0xae: {  	v4 =	vperm.xlane v3, v0;
	_ =	sdelay $0x1  }
0xaf: {  	v4 =	vadd.s32 v1, v4;
	_ =	sdelay $0x4  }
0xb0: {  	[tilespmem:s9], [sflag:$0x7] =	stream.indirect_vreg.gather [hbm4b:s2+s3], $0x80, v4, vm0, $0xb8;
	[tilespmem:$0x1C100] =	vst v63  }
0xb1: {  	s21 =	simm.s32 $0x18900;
	v3 =	vperm.xlane v3, v2  }
0xb2: {  	[tilespmem:s21], [sflag:$0x7] =	stream.indirect_vreg.gather [hbm4b:s4+s3], $0x80, v4, vm0, $0xb8;
	[tilespmem:$0x1C100] =	vst v63  }
0xb3: {  	s14 =	simm.s32 $0x19100;
	v3 =	vadd.s32 v1, v3  }
0xb4: {  	[tilespmem:s14], [sflag:$0x7] =	stream.indirect_vreg.gather [hbm4b:s5+s3], $0x80, v4, vm0, $0xb8;
	[tilespmem:$0x1C100] =	vst v63  }
0xb5: {  	s15 =	simm.s32 $0x19900  }
0xb6: {  	[tilespmem:s15], [sflag:$0x7] =	stream.indirect_vreg.gather [hbm4b:s6+s3], $0x80, v4, vm0, $0xb8;
	[tilespmem:$0x1C100] =	vst v63  }
0xb7: {  	s21 =	simm.s32 $0x1A100  }
0xb8: {  	[tilespmem:s21], [sflag:$0x7] =	stream.indirect_vreg.gather [hbm4b:s2+s3], $0x80, v3, vm0, $0xb8;
	[tilespmem:$0x1C100] =	vst v63  }
0xb9: {  	s14 =	simm.s32 $0x1A900  }
0xba: {  	[tilespmem:s14], [sflag:$0x7] =	stream.indirect_vreg.gather [hbm4b:s4+s3], $0x80, v3, vm0, $0xb8;
	[tilespmem:$0x1C100] =	vst v63  }
0xbb: {  	s15 =	simm.s32 $0x1B100  }
0xbc: {  	[tilespmem:s15], [sflag:$0x7] =	stream.indirect_vreg.gather [hbm4b:s5+s3], $0x80, v3, vm0, $0xb8;
	[tilespmem:$0x1C100] =	vst v63  }
0xbd: {  	s21 =	simm.s32 $0x1B900  }
0xbe: {  	[tilespmem:s21], [sflag:$0x7] =	stream.indirect_vreg.gather [hbm4b:s6+s3], $0x80, v3, vm0, $0xb8;
	[tilespmem:$0x1C100] =	vst v63  }
0xbf: {  	_ =	swait.ge [sflag:s30], $0x4000  }
0xc0: {  	[sflag:s30] =	ssyncset.done $0x0  }
0xc1: {  	s0 =	rddreg [dreg:$0x6];
	[sflag:s30] =	ssyncadd.s32 $0xFFFFC000  }
0xc2: {  	[hbm4b:s0+s3] =	stream.linear.scatter [tilespmem:s8], [sflag:$0x9], $0x4000, $0x38;
	[tilespmem:$0x1C100] =	vst v63  }
0xc3: {  	_ =	swait.ge [sflag:s28], $0x4000  }
0xc4: {  	[sflag:s28] =	ssyncset.done $0x0  }
0xc5: {  	[sflag:s28] =	ssyncadd.s32 $0xFFFFC000  }
0xc6: {  	v3 =	vld [tilespmem:$0x70];
	_ =	sdelay $0x4  }
0xc7: {  	v55 =	vshll.u32 v3, $0x3  }
0xc8: {  	v3 =	vand.u32 $0x7, v3;
	v4 =	vand.u32 $0xFFFFFFC0, v55  }
0xc9: {  	v3 =	vor.u32 v3, v4  }
0xca: {  	v4 =	vperm.xlane v3, v0;
	_ =	sdelay $0x1  }
0xcb: {  	v4 =	vadd.s32 v1, v4;
	_ =	sdelay $0x4  }
0xcc: {  	[tilespmem:s17], [sflag:$0x1] =	stream.indirect_vreg.gather [hbm4b:s2+s3], $0x80, v4, vm0, $0xb8;
	[tilespmem:$0x1C100] =	vst v63  }
0xcd: {  	s1 =	simm.s32 $0x900;
	v3 =	vperm.xlane v3, v2  }
0xce: {  	[tilespmem:s1], [sflag:$0x1] =	stream.indirect_vreg.gather [hbm4b:s4+s3], $0x80, v4, vm0, $0xb8;
	[tilespmem:$0x1C100] =	vst v63  }
0xcf: {  	s14 =	simm.s32 $0x1100;
	v3 =	vadd.s32 v1, v3  }
0xd0: {  	[tilespmem:s14], [sflag:$0x1] =	stream.indirect_vreg.gather [hbm4b:s5+s3], $0x80, v4, vm0, $0xb8;
	[tilespmem:$0x1C100] =	vst v63  }
0xd1: {  	s15 =	simm.s32 $0x1900  }
0xd2: {  	[tilespmem:s15], [sflag:$0x1] =	stream.indirect_vreg.gather [hbm4b:s6+s3], $0x80, v4, vm0, $0xb8;
	[tilespmem:$0x1C100] =	vst v63  }
0xd3: {  	s21 =	simm.s32 $0x2100  }
0xd4: {  	[tilespmem:s21], [sflag:$0x1] =	stream.indirect_vreg.gather [hbm4b:s2+s3], $0x80, v3, vm0, $0xb8;
	[tilespmem:$0x1C100] =	vst v63  }
0xd5: {  	s1 =	simm.s32 $0x2900  }
0xd6: {  	[tilespmem:s1], [sflag:$0x1] =	stream.indirect_vreg.gather [hbm4b:s4+s3], $0x80, v3, vm0, $0xb8;
	[tilespmem:$0x1C100] =	vst v63  }
0xd7: {  	s14 =	simm.s32 $0x3100  }
0xd8: {  	[tilespmem:s14], [sflag:$0x1] =	stream.indirect_vreg.gather [hbm4b:s5+s3], $0x80, v3, vm0, $0xb8;
	[tilespmem:$0x1C100] =	vst v63  }
0xd9: {  	s31 =	simm.s32 $0x3900;
	s0 =	simm.s32 $0x3  }
0xda: {  	[tilespmem:s31], [sflag:$0x1] =	stream.indirect_vreg.gather [hbm4b:s6+s3], $0x80, v3, vm0, $0xb8;
	[tilespmem:$0x1C100] =	vst v63  }
0xdb: {  	_ =	swait.ge [sflag:s0], $0x4000  }
0xdc: {  	[sflag:s0] =	ssyncset.done $0x0  }
0xdd: {  	s14 =	simm.s32 $0x8100;
	s15 =	rddreg [dreg:$0x7];
	[sflag:s0] =	ssyncadd.s32 $0xFFFFC000  }
0xde: {  	[hbm4b:s15+s3] =	stream.linear.scatter [tilespmem:s14], [sflag:$0xA], $0x4000, $0x38;
	[tilespmem:$0x1C100] =	vst v63  }
0xdf: {  	_ =	swait.ge [sflag:s10], $0x4000  }
0xe0: {  	[sflag:s10] =	ssyncset.done $0x0  }
0xe1: {  	[sflag:s10] =	ssyncadd.s32 $0xFFFFC000  }
0xe2: {  	v3 =	vld [tilespmem:$0x80];
	_ =	sdelay $0x4  }
0xe3: {  	v56 =	vshll.u32 v3, $0x3  }
0xe4: {  	v3 =	vand.u32 $0x7, v3;
	v4 =	vand.u32 $0xFFFFFFC0, v56  }
0xe5: {  	v3 =	vor.u32 v3, v4  }
0xe6: {  	v4 =	vperm.xlane v3, v0;
	_ =	sdelay $0x1  }
0xe7: {  	v4 =	vadd.s32 v1, v4;
	_ =	sdelay $0x4  }
0xe8: {  	[tilespmem:s8], [sflag:$0x2] =	stream.indirect_vreg.gather [hbm4b:s2+s3], $0x80, v4, vm0, $0xb8;
	[tilespmem:$0x1C100] =	vst v63  }
0xe9: {  	s21 =	simm.s32 $0x4900;
	v3 =	vperm.xlane v3, v2  }
0xea: {  	[tilespmem:s21], [sflag:$0x2] =	stream.indirect_vreg.gather [hbm4b:s4+s3], $0x80, v4, vm0, $0xb8;
	[tilespmem:$0x1C100] =	vst v63  }
0xeb: {  	s31 =	simm.s32 $0x5100;
	v3 =	vadd.s32 v1, v3  }
0xec: {  	[tilespmem:s31], [sflag:$0x2] =	stream.indirect_vreg.gather [hbm4b:s5+s3], $0x80, v4, vm0, $0xb8;
	[tilespmem:$0x1C100] =	vst v63  }
0xed: {  	s15 =	simm.s32 $0x5900  }
0xee: {  	[tilespmem:s15], [sflag:$0x2] =	stream.indirect_vreg.gather [hbm4b:s6+s3], $0x80, v4, vm0, $0xb8;
	[tilespmem:$0x1C100] =	vst v63  }
0xef: {  	s21 =	simm.s32 $0x6100  }
0xf0: {  	[tilespmem:s21], [sflag:$0x2] =	stream.indirect_vreg.gather [hbm4b:s2+s3], $0x80, v3, vm0, $0xb8;
	[tilespmem:$0x1C100] =	vst v63  }
0xf1: {  	s31 =	simm.s32 $0x6900  }
0xf2: {  	[tilespmem:s31], [sflag:$0x2] =	stream.indirect_vreg.gather [hbm4b:s4+s3], $0x80, v3, vm0, $0xb8;
	[tilespmem:$0x1C100] =	vst v63  }
0xf3: {  	s15 =	simm.s32 $0x7100  }
0xf4: {  	[tilespmem:s15], [sflag:$0x2] =	stream.indirect_vreg.gather [hbm4b:s5+s3], $0x80, v3, vm0, $0xb8;
	[tilespmem:$0x1C100] =	vst v63  }
0xf5: {  	s1 =	simm.s32 $0x4;
	s21 =	simm.s32 $0x7900  }
0xf6: {  	[tilespmem:s21], [sflag:$0x2] =	stream.indirect_vreg.gather [hbm4b:s6+s3], $0x80, v3, vm0, $0xb8;
	[tilespmem:$0x1C100] =	vst v63  }
0xf7: {  	_ =	swait.ge [sflag:s1], $0x4000  }
0xf8: {  	[sflag:s1] =	ssyncset.done $0x0  }
0xf9: {  	s15 =	simm.s32 $0xC100;
	s31 =	rddreg [dreg:$0x8];
	[sflag:s1] =	ssyncadd.s32 $0xFFFFC000  }
0xfa: {  	[hbm4b:s31+s3] =	stream.linear.scatter [tilespmem:s15], [sflag:$0xB], $0x4000, $0x38;
	[tilespmem:$0x1C100] =	vst v63  }
0xfb: {  	s31 =	simm.s32 $0xA  }
0xfc: {  	_ =	swait.ge [sflag:s31], $0x4000  }
0xfd: {  	[sflag:s31] =	ssyncset.done $0x0  }
0xfe: {  	[sflag:s31] =	ssyncadd.s32 $0xFFFFC000  }
0xff: {  	v3 =	vld [tilespmem:$0x90];
	_ =	sdelay $0x4  }
0x100: {  	v57 =	vshll.u32 v3, $0x3  }
0x101: {  	v3 =	vand.u32 $0x7, v3;
	v4 =	vand.u32 $0xFFFFFFC0, v57  }
0x102: {  	v3 =	vor.u32 v3, v4  }
0x103: {  	v4 =	vperm.xlane v3, v0;
	_ =	sdelay $0x1  }
0x104: {  	v4 =	vadd.s32 v1, v4;
	_ =	sdelay $0x4  }
0x105: {  	[tilespmem:s14], [sflag:$0x3] =	stream.indirect_vreg.gather [hbm4b:s2+s3], $0x80, v4, vm0, $0xb8;
	[tilespmem:$0x1C100] =	vst v63  }
0x106: {  	v3 =	vperm.xlane v3, v2  }
0x107: {  	[tilespmem:s13], [sflag:$0x3] =	stream.indirect_vreg.gather [hbm4b:s4+s3], $0x80, v4, vm0, $0xb8;
	[tilespmem:$0x1C100] =	vst v63  }
0x108: {  	v3 =	vadd.s32 v1, v3  }
0x109: {  	[tilespmem:s12], [sflag:$0x3] =	stream.indirect_vreg.gather [hbm4b:s5+s3], $0x80, v4, vm0, $0xb8;
	[tilespmem:$0x1C100] =	vst v63  }
0x10a: {  	_ = 	snop  }
0x10b: {  	[tilespmem:s16], [sflag:$0x3] =	stream.indirect_vreg.gather [hbm4b:s6+s3], $0x80, v4, vm0, $0xb8;
	[tilespmem:$0x1C100] =	vst v63  }
0x10c: {  	_ = 	snop  }
0x10d: {  	[tilespmem:s25], [sflag:$0x3] =	stream.indirect_vreg.gather [hbm4b:s2+s3], $0x80, v3, vm0, $0xb8;
	[tilespmem:$0x1C100] =	vst v63  }
0x10e: {  	_ = 	snop  }
0x10f: {  	[tilespmem:s26], [sflag:$0x3] =	stream.indirect_vreg.gather [hbm4b:s4+s3], $0x80, v3, vm0, $0xb8;
	[tilespmem:$0x1C100] =	vst v63  }
0x110: {  	_ = 	snop  }
0x111: {  	[tilespmem:s29], [sflag:$0x3] =	stream.indirect_vreg.gather [hbm4b:s5+s3], $0x80, v3, vm0, $0xb8;
	[tilespmem:$0x1C100] =	vst v63  }
0x112: {  	_ = 	snop  }
0x113: {  	[tilespmem:s11], [sflag:$0x3] =	stream.indirect_vreg.gather [hbm4b:s6+s3], $0x80, v3, vm0, $0xb8;
	[tilespmem:$0x1C100] =	vst v63  }
0x114: {  	s11 =	simm.s32 $0x5  }
0x115: {  	_ =	swait.ge [sflag:s11], $0x4000  }
0x116: {  	s12 =	simm.s32 $0xB;
	[sflag:s11] =	ssyncset.done $0x0  }
0x117: {  	s25 =	simm.s32 $0x10100;
	s16 =	rddreg [dreg:$0x9];
	[sflag:s11] =	ssyncadd.s32 $0xFFFFC000  }
0x118: {  	[hbm4b:s16+s3] =	stream.linear.scatter [tilespmem:s25], [sflag:$0xC], $0x4000, $0x38;
	[tilespmem:$0x1C100] =	vst v63  }
0x119: {  	_ =	swait.ge [sflag:s12], $0x4000  }
0x11a: {  	[sflag:s12] =	ssyncset.done $0x0  }
0x11b: {  	[sflag:s12] =	ssyncadd.s32 $0xFFFFC000  }
0x11c: {  	v3 =	vld [tilespmem:$0xA0];
	_ =	sdelay $0x4  }
0x11d: {  	v58 =	vshll.u32 v3, $0x3  }
0x11e: {  	v3 =	vand.u32 $0x7, v3;
	v4 =	vand.u32 $0xFFFFFFC0, v58  }
0x11f: {  	v3 =	vor.u32 v3, v4  }
0x120: {  	v4 =	vperm.xlane v3, v0;
	_ =	sdelay $0x1  }
0x121: {  	v4 =	vadd.s32 v1, v4;
	_ =	sdelay $0x4  }
0x122: {  	[tilespmem:s15], [sflag:$0x4] =	stream.indirect_vreg.gather [hbm4b:s2+s3], $0x80, v4, vm0, $0xb8;
	[tilespmem:$0x1C100] =	vst v63  }
0x123: {  	s21 =	simm.s32 $0xC900;
	v3 =	vperm.xlane v3, v2  }
0x124: {  	[tilespmem:s21], [sflag:$0x4] =	stream.indirect_vreg.gather [hbm4b:s4+s3], $0x80, v4, vm0, $0xb8;
	[tilespmem:$0x1C100] =	vst v63  }
0x125: {  	v3 =	vadd.s32 v1, v3  }
0x126: {  	[tilespmem:s23], [sflag:$0x4] =	stream.indirect_vreg.gather [hbm4b:s5+s3], $0x80, v4, vm0, $0xb8;
	[tilespmem:$0x1C100] =	vst v63  }
0x127: {  	s15 =	simm.s32 $0xD900  }
0x128: {  	[tilespmem:s15], [sflag:$0x4] =	stream.indirect_vreg.gather [hbm4b:s6+s3], $0x80, v4, vm0, $0xb8;
	[tilespmem:$0x1C100] =	vst v63  }
0x129: {  	s16 =	simm.s32 $0xE100  }
0x12a: {  	[tilespmem:s16], [sflag:$0x4] =	stream.indirect_vreg.gather [hbm4b:s2+s3], $0x80, v3, vm0, $0xb8;
	[tilespmem:$0x1C100] =	vst v63  }
0x12b: {  	_ = 	snop  }
0x12c: {  	[tilespmem:s18], [sflag:$0x4] =	stream.indirect_vreg.gather [hbm4b:s4+s3], $0x80, v3, vm0, $0xb8;
	[tilespmem:$0x1C100] =	vst v63  }
0x12d: {  	_ = 	snop  }
0x12e: {  	[tilespmem:s19], [sflag:$0x4] =	stream.indirect_vreg.gather [hbm4b:s5+s3], $0x80, v3, vm0, $0xb8;
	[tilespmem:$0x1C100] =	vst v63  }
0x12f: {  	s13 =	simm.s32 $0x6  }
0x130: {  	[tilespmem:s20], [sflag:$0x4] =	stream.indirect_vreg.gather [hbm4b:s6+s3], $0x80, v3, vm0, $0xb8;
	[tilespmem:$0x1C100] =	vst v63  }
0x131: {  	_ =	swait.ge [sflag:s13], $0x4000  }
0x132: {  	[sflag:s13] =	ssyncset.done $0x0  }
0x133: {  	s16 =	simm.s32 $0xC;
	s19 =	rddreg [dreg:$0xa];
	[sflag:s13] =	ssyncadd.s32 $0xFFFFC000  }
0x134: {  	[hbm4b:s19+s3] =	stream.linear.scatter [tilespmem:s22], [sflag:$0xD], $0x4000, $0x38;
	[tilespmem:$0x1C100] =	vst v63  }
0x135: {  	_ =	swait.ge [sflag:s16], $0x4000  }
0x136: {  	[sflag:s16] =	ssyncset.done $0x0  }
0x137: {  	[sflag:s16] =	ssyncadd.s32 $0xFFFFC000  }
0x138: {  	v3 =	vld [tilespmem:$0xB0];
	_ =	sdelay $0x4  }
0x139: {  	v59 =	vshll.u32 v3, $0x3  }
0x13a: {  	v3 =	vand.u32 $0x7, v3;
	v4 =	vand.u32 $0xFFFFFFC0, v59  }
0x13b: {  	v3 =	vor.u32 v3, v4  }
0x13c: {  	v4 =	vperm.xlane v3, v0;
	_ =	sdelay $0x1  }
0x13d: {  	v4 =	vadd.s32 v1, v4;
	_ =	sdelay $0x4  }
0x13e: {  	[tilespmem:s25], [sflag:$0x5] =	stream.indirect_vreg.gather [hbm4b:s2+s3], $0x80, v4, vm0, $0xb8;
	[tilespmem:$0x1C100] =	vst v63  }
0x13f: {  	s20 =	simm.s32 $0x10900;
	v3 =	vperm.xlane v3, v2  }
0x140: {  	[tilespmem:s20], [sflag:$0x5] =	stream.indirect_vreg.gather [hbm4b:s4+s3], $0x80, v4, vm0, $0xb8;
	[tilespmem:$0x1C100] =	vst v63  }
0x141: {  	s21 =	simm.s32 $0x11100;
	v3 =	vadd.s32 v1, v3  }
0x142: {  	[tilespmem:s21], [sflag:$0x5] =	stream.indirect_vreg.gather [hbm4b:s5+s3], $0x80, v4, vm0, $0xb8;
	[tilespmem:$0x1C100] =	vst v63  }
0x143: {  	s23 =	simm.s32 $0x11900  }
0x144: {  	[tilespmem:s23], [sflag:$0x5] =	stream.indirect_vreg.gather [hbm4b:s6+s3], $0x80, v4, vm0, $0xb8;
	[tilespmem:$0x1C100] =	vst v63  }
0x145: {  	s25 =	simm.s32 $0x12100  }
0x146: {  	[tilespmem:s25], [sflag:$0x5] =	stream.indirect_vreg.gather [hbm4b:s2+s3], $0x80, v3, vm0, $0xb8;
	[tilespmem:$0x1C100] =	vst v63  }
0x147: {  	s19 =	simm.s32 $0x12900  }
0x148: {  	[tilespmem:s19], [sflag:$0x5] =	stream.indirect_vreg.gather [hbm4b:s4+s3], $0x80, v3, vm0, $0xb8;
	[tilespmem:$0x1C100] =	vst v63  }
0x149: {  	s20 =	simm.s32 $0x13100  }
0x14a: {  	[tilespmem:s20], [sflag:$0x5] =	stream.indirect_vreg.gather [hbm4b:s5+s3], $0x80, v3, vm0, $0xb8;
	[tilespmem:$0x1C100] =	vst v63  }
0x14b: {  	s18 =	simm.s32 $0x7;
	s21 =	simm.s32 $0x13900  }
0x14c: {  	[tilespmem:s21], [sflag:$0x5] =	stream.indirect_vreg.gather [hbm4b:s6+s3], $0x80, v3, vm0, $0xb8;
	[tilespmem:$0x1C100] =	vst v63  }
0x14d: {  	_ =	swait.ge [sflag:s18], $0x4000  }
0x14e: {  	[sflag:s18] =	ssyncset.done $0x0  }
0x14f: {  	s19 =	simm.s32 $0xD;
	s23 =	rddreg [dreg:$0xb];
	[sflag:s18] =	ssyncadd.s32 $0xFFFFC000  }
0x150: {  	[hbm4b:s23+s3] =	stream.linear.scatter [tilespmem:s9], [sflag:$0xE], $0x4000, $0x38;
	[tilespmem:$0x1C100] =	vst v63  }
0x151: {  	_ =	swait.ge [sflag:s19], $0x4000  }
0x152: {  	[sflag:s19] =	ssyncset.done $0x0  }
0x153: {  	[sflag:s19] =	ssyncadd.s32 $0xFFFFC000  }
0x154: {  	v3 =	vld [tilespmem:$0xC0];
	_ =	sdelay $0x4  }
0x155: {  	v60 =	vshll.u32 v3, $0x3  }
0x156: {  	v3 =	vand.u32 $0x7, v3;
	v4 =	vand.u32 $0xFFFFFFC0, v60  }
0x157: {  	v3 =	vor.u32 v3, v4  }
0x158: {  	v4 =	vperm.xlane v3, v0;
	_ =	sdelay $0x1  }
0x159: {  	v4 =	vadd.s32 v1, v4;
	_ =	sdelay $0x4  }
0x15a: {  	[tilespmem:s22], [sflag:$0x6] =	stream.indirect_vreg.gather [hbm4b:s2+s3], $0x80, v4, vm0, $0xb8;
	[tilespmem:$0x1C100] =	vst v63  }
0x15b: {  	s25 =	simm.s32 $0x14900;
	v3 =	vperm.xlane v3, v2  }
0x15c: {  	[tilespmem:s25], [sflag:$0x6] =	stream.indirect_vreg.gather [hbm4b:s4+s3], $0x80, v4, vm0, $0xb8;
	[tilespmem:$0x1C100] =	vst v63  }
0x15d: {  	s21 =	simm.s32 $0x15100;
	v3 =	vadd.s32 v1, v3  }
0x15e: {  	[tilespmem:s21], [sflag:$0x6] =	stream.indirect_vreg.gather [hbm4b:s5+s3], $0x80, v4, vm0, $0xb8;
	[tilespmem:$0x1C100] =	vst v63  }
0x15f: {  	s23 =	simm.s32 $0x15900  }
0x160: {  	[tilespmem:s23], [sflag:$0x6] =	stream.indirect_vreg.gather [hbm4b:s6+s3], $0x80, v4, vm0, $0xb8;
	[tilespmem:$0x1C100] =	vst v63  }
0x161: {  	s25 =	simm.s32 $0x16100  }
0x162: {  	[tilespmem:s25], [sflag:$0x6] =	stream.indirect_vreg.gather [hbm4b:s2+s3], $0x80, v3, vm0, $0xb8;
	[tilespmem:$0x1C100] =	vst v63  }
0x163: {  	s21 =	simm.s32 $0x16900  }
0x164: {  	[tilespmem:s21], [sflag:$0x6] =	stream.indirect_vreg.gather [hbm4b:s4+s3], $0x80, v3, vm0, $0xb8;
	[tilespmem:$0x1C100] =	vst v63  }
0x165: {  	s23 =	simm.s32 $0x17100  }
0x166: {  	[tilespmem:s23], [sflag:$0x6] =	stream.indirect_vreg.gather [hbm4b:s5+s3], $0x80, v3, vm0, $0xb8;
	[tilespmem:$0x1C100] =	vst v63  }
0x167: {  	s25 =	simm.s32 $0x17900  }
0x168: {  	[tilespmem:s25], [sflag:$0x6] =	stream.indirect_vreg.gather [hbm4b:s6+s3], $0x80, v3, vm0, $0xb8;
	[tilespmem:$0x1C100] =	vst v63  }
0x169: {  	_ =	swait.ge [sflag:s24], $0x4000  }
0x16a: {  	[sflag:s24] =	ssyncset.done $0x0  }
0x16b: {  	s20 =	rddreg [dreg:$0xc];
	[sflag:s24] =	ssyncadd.s32 $0xFFFFC000  }
0x16c: {  	[hbm4b:s20+s3] =	stream.linear.scatter [tilespmem:s17], [sflag:$0x8], $0x4000, $0x38;
	[tilespmem:$0x1C100] =	vst v63  }
0x16d: {  	s20 =	simm.s32 $0xE  }
0x16e: {  	_ =	swait.ge [sflag:s20], $0x4000  }
0x16f: {  	[sflag:s20] =	ssyncset.done $0x0  }
0x170: {  	[sflag:s20] =	ssyncadd.s32 $0xFFFFC000  }
0x171: {  	v3 =	vld [tilespmem:$0xD0];
	_ =	sdelay $0x4  }
0x172: {  	v61 =	vshll.u32 v3, $0x3  }
0x173: {  	v3 =	vand.u32 $0x7, v3;
	v4 =	vand.u32 $0xFFFFFFC0, v61  }
0x174: {  	v3 =	vor.u32 v3, v4  }
0x175: {  	v4 =	vperm.xlane v3, v0;
	_ =	sdelay $0x1  }
0x176: {  	v4 =	vadd.s32 v1, v4;
	_ =	sdelay $0x4  }
0x177: {  	[tilespmem:s9], [sflag:$0x7] =	stream.indirect_vreg.gather [hbm4b:s2+s3], $0x80, v4, vm0, $0xb8;
	[tilespmem:$0x1C100] =	vst v63  }
0x178: {  	s23 =	simm.s32 $0x18900;
	v3 =	vperm.xlane v3, v2  }
0x179: {  	[tilespmem:s23], [sflag:$0x7] =	stream.indirect_vreg.gather [hbm4b:s4+s3], $0x80, v4, vm0, $0xb8;
	[tilespmem:$0x1C100] =	vst v63  }
0x17a: {  	s25 =	simm.s32 $0x19100;
	v3 =	vadd.s32 v1, v3  }
0x17b: {  	[tilespmem:s25], [sflag:$0x7] =	stream.indirect_vreg.gather [hbm4b:s5+s3], $0x80, v4, vm0, $0xb8;
	[tilespmem:$0x1C100] =	vst v63  }
0x17c: {  	s23 =	simm.s32 $0x19900  }
0x17d: {  	[tilespmem:s23], [sflag:$0x7] =	stream.indirect_vreg.gather [hbm4b:s6+s3], $0x80, v4, vm0, $0xb8;
	[tilespmem:$0x1C100] =	vst v63  }
0x17e: {  	s25 =	simm.s32 $0x1A100  }
0x17f: {  	[tilespmem:s25], [sflag:$0x7] =	stream.indirect_vreg.gather [hbm4b:s2+s3], $0x80, v3, vm0, $0xb8;
	[tilespmem:$0x1C100] =	vst v63  }
0x180: {  	s23 =	simm.s32 $0x1A900  }
0x181: {  	[tilespmem:s23], [sflag:$0x7] =	stream.indirect_vreg.gather [hbm4b:s4+s3], $0x80, v3, vm0, $0xb8;
	[tilespmem:$0x1C100] =	vst v63  }
0x182: {  	s25 =	simm.s32 $0x1B100  }
0x183: {  	[tilespmem:s25], [sflag:$0x7] =	stream.indirect_vreg.gather [hbm4b:s5+s3], $0x80, v3, vm0, $0xb8;
	[tilespmem:$0x1C100] =	vst v63  }
0x184: {  	s23 =	simm.s32 $0x1B900  }
0x185: {  	[tilespmem:s23], [sflag:$0x7] =	stream.indirect_vreg.gather [hbm4b:s6+s3], $0x80, v3, vm0, $0xb8;
	[tilespmem:$0x1C100] =	vst v63  }
0x186: {  	_ =	swait.ge [sflag:s30], $0x4000  }
0x187: {  	[sflag:s30] =	ssyncset.done $0x0  }
0x188: {  	s25 =	rddreg [dreg:$0xd];
	[sflag:s30] =	ssyncadd.s32 $0xFFFFC000  }
0x189: {  	[hbm4b:s25+s3] =	stream.linear.scatter [tilespmem:s8], [sflag:$0x9], $0x4000, $0x38;
	[tilespmem:$0x1C100] =	vst v63  }
0x18a: {  	_ =	swait.ge [sflag:s28], $0x4000  }
0x18b: {  	[sflag:s28] =	ssyncset.done $0x0  }
0x18c: {  	[sflag:s28] =	ssyncadd.s32 $0xFFFFC000  }
0x18d: {  	v3 =	vld [tilespmem:$0xE0];
	_ =	sdelay $0x4  }
0x18e: {  	v62 =	vshll.u32 v3, $0x3  }
0x18f: {  	v3 =	vand.u32 $0x7, v3;
	v4 =	vand.u32 $0xFFFFFFC0, v62  }
0x190: {  	v3 =	vor.u32 v3, v4  }
0x191: {  	v4 =	vperm.xlane v3, v0;
	_ =	sdelay $0x1  }
0x192: {  	v4 =	vadd.s32 v1, v4;
	_ =	sdelay $0x4  }
0x193: {  	[tilespmem:s17], [sflag:$0x1] =	stream.indirect_vreg.gather [hbm4b:s2+s3], $0x80, v4, vm0, $0xb8;
	[tilespmem:$0x1C100] =	vst v63  }
0x194: {  	s23 =	simm.s32 $0x900;
	v3 =	vperm.xlane v3, v2  }
0x195: {  	[tilespmem:s23], [sflag:$0x1] =	stream.indirect_vreg.gather [hbm4b:s4+s3], $0x80, v4, vm0, $0xb8;
	[tilespmem:$0x1C100] =	vst v63  }
0x196: {  	s25 =	simm.s32 $0x1100;
	v3 =	vadd.s32 v1, v3  }
0x197: {  	[tilespmem:s25], [sflag:$0x1] =	stream.indirect_vreg.gather [hbm4b:s5+s3], $0x80, v4, vm0, $0xb8;
	[tilespmem:$0x1C100] =	vst v63  }
0x198: {  	s23 =	simm.s32 $0x1900  }
0x199: {  	[tilespmem:s23], [sflag:$0x1] =	stream.indirect_vreg.gather [hbm4b:s6+s3], $0x80, v4, vm0, $0xb8;
	[tilespmem:$0x1C100] =	vst v63  }
0x19a: {  	s25 =	simm.s32 $0x2100  }
0x19b: {  	[tilespmem:s25], [sflag:$0x1] =	stream.indirect_vreg.gather [hbm4b:s2+s3], $0x80, v3, vm0, $0xb8;
	[tilespmem:$0x1C100] =	vst v63  }
0x19c: {  	s23 =	simm.s32 $0x2900  }
0x19d: {  	[tilespmem:s23], [sflag:$0x1] =	stream.indirect_vreg.gather [hbm4b:s4+s3], $0x80, v3, vm0, $0xb8;
	[tilespmem:$0x1C100] =	vst v63  }
0x19e: {  	s25 =	simm.s32 $0x3100  }
0x19f: {  	[tilespmem:s25], [sflag:$0x1] =	stream.indirect_vreg.gather [hbm4b:s5+s3], $0x80, v3, vm0, $0xb8;
	[tilespmem:$0x1C100] =	vst v63  }
0x1a0: {  	s23 =	simm.s32 $0x3900  }
0x1a1: {  	[tilespmem:s23], [sflag:$0x1] =	stream.indirect_vreg.gather [hbm4b:s6+s3], $0x80, v3, vm0, $0xb8;
	[tilespmem:$0x1C100] =	vst v63  }
0x1a2: {  	_ =	swait.ge [sflag:s0], $0x4000  }
0x1a3: {  	[sflag:s0] =	ssyncset.done $0x0  }
0x1a4: {  	s23 =	simm.s32 $0x8100;
	s25 =	rddreg [dreg:$0xe];
	[sflag:s0] =	ssyncadd.s32 $0xFFFFC000  }
0x1a5: {  	[hbm4b:s25+s3] =	stream.linear.scatter [tilespmem:s23], [sflag:$0xA], $0x4000, $0x38;
	[tilespmem:$0x1C100] =	vst v63  }
0x1a6: {  	_ =	swait.ge [sflag:s10], $0x4000  }
0x1a7: {  	[sflag:s10] =	ssyncset.done $0x0  }
0x1a8: {  	[sflag:s10] =	ssyncadd.s32 $0xFFFFC000  }
0x1a9: {  	v3 =	vld [tilespmem:$0xF0];
	_ =	sdelay $0x4  }
0x1aa: {  	v63 =	vshll.u32 v3, $0x3  }
0x1ab: {  	v3 =	vand.u32 $0x7, v3;
	v4 =	vand.u32 $0xFFFFFFC0, v63  }
0x1ac: {  	v3 =	vor.u32 v3, v4  }
0x1ad: {  	v4 =	vperm.xlane v3, v0;
	_ =	sdelay $0x1  }
0x1ae: {  	v4 =	vadd.s32 v1, v4;
	_ =	sdelay $0x4  }
0x1af: {  	[tilespmem:s8], [sflag:$0x2] =	stream.indirect_vreg.gather [hbm4b:s2+s3], $0x80, v4, vm0, $0xb8;
	[tilespmem:$0x1C100] =	vst v63  }
0x1b0: {  	s25 =	simm.s32 $0x4900;
	v3 =	vperm.xlane v3, v2  }
0x1b1: {  	[tilespmem:s25], [sflag:$0x2] =	stream.indirect_vreg.gather [hbm4b:s4+s3], $0x80, v4, vm0, $0xb8;
	[tilespmem:$0x1C100] =	vst v63  }
0x1b2: {  	s21 =	simm.s32 $0x5100;
	v3 =	vadd.s32 v1, v3  }
0x1b3: {  	[tilespmem:s21], [sflag:$0x2] =	stream.indirect_vreg.gather [hbm4b:s5+s3], $0x80, v4, vm0, $0xb8;
	[tilespmem:$0x1C100] =	vst v63  }
0x1b4: {  	s23 =	simm.s32 $0x5900  }
0x1b5: {  	[tilespmem:s23], [sflag:$0x2] =	stream.indirect_vreg.gather [hbm4b:s6+s3], $0x80, v4, vm0, $0xb8;
	[tilespmem:$0x1C100] =	vst v63  }
0x1b6: {  	s25 =	simm.s32 $0x6100  }
0x1b7: {  	[tilespmem:s25], [sflag:$0x2] =	stream.indirect_vreg.gather [hbm4b:s2+s3], $0x80, v3, vm0, $0xb8;
	[tilespmem:$0x1C100] =	vst v63  }
0x1b8: {  	s21 =	simm.s32 $0x6900  }
0x1b9: {  	[tilespmem:s21], [sflag:$0x2] =	stream.indirect_vreg.gather [hbm4b:s4+s3], $0x80, v3, vm0, $0xb8;
	[tilespmem:$0x1C100] =	vst v63  }
0x1ba: {  	s23 =	simm.s32 $0x7100  }
0x1bb: {  	[tilespmem:s23], [sflag:$0x2] =	stream.indirect_vreg.gather [hbm4b:s5+s3], $0x80, v3, vm0, $0xb8;
	[tilespmem:$0x1C100] =	vst v63  }
0x1bc: {  	s25 =	simm.s32 $0x7900  }
0x1bd: {  	[tilespmem:s25], [sflag:$0x2] =	stream.indirect_vreg.gather [hbm4b:s6+s3], $0x80, v3, vm0, $0xb8;
	[tilespmem:$0x1C100] =	vst v63  }
0x1be: {  	_ =	swait.ge [sflag:s1], $0x4000  }
0x1bf: {  	[sflag:s1] =	ssyncset.done $0x0  }
0x1c0: {  	s14 =	simm.s32 $0xC100;
	s0 =	rddreg [dreg:$0xf];
	[sflag:s1] =	ssyncadd.s32 $0xFFFFC000  }
0x1c1: {  	[hbm4b:s0+s3] =	stream.linear.scatter [tilespmem:s14], [sflag:$0xB], $0x4000, $0x38;
	[tilespmem:$0x1C100] =	vst v63  }
0x1c2: {  	_ =	swait.ge [sflag:s11], $0x4000  }
0x1c3: {  	[sflag:s11] =	ssyncset.done $0x0  }
0x1c4: {  	s15 =	simm.s32 $0x10100;
	s14 =	rddreg [dreg:$0x10];
	[sflag:s11] =	ssyncadd.s32 $0xFFFFC000  }
0x1c5: {  	[hbm4b:s14+s3] =	stream.linear.scatter [tilespmem:s15], [sflag:$0xC], $0x4000, $0x38;
	[tilespmem:$0x1C100] =	vst v63  }
0x1c6: {  	_ =	swait.ge [sflag:s13], $0x4000  }
0x1c7: {  	[sflag:s13] =	ssyncset.done $0x0  }
0x1c8: {  	s15 =	rddreg [dreg:$0x11];
	[sflag:s13] =	ssyncadd.s32 $0xFFFFC000  }
0x1c9: {  	[hbm4b:s15+s3] =	stream.linear.scatter [tilespmem:s22], [sflag:$0xD], $0x4000, $0x38;
	[tilespmem:$0x1C100] =	vst v63  }
0x1ca: {  	_ =	swait.ge [sflag:s18], $0x4000  }
0x1cb: {  	[sflag:s18] =	ssyncset.done $0x0  }
0x1cc: {  	s22 =	rddreg [dreg:$0x12];
	[sflag:s18] =	ssyncadd.s32 $0xFFFFC000  }
0x1cd: {  	[hbm4b:s22+s3] =	stream.linear.scatter [tilespmem:s9], [sflag:$0xE], $0x4000, $0x38;
	[tilespmem:$0x1C100] =	vst v63  }
0x1ce: {  	_ =	swait.ge [sflag:s24], $0x4000  }
0x1cf: {  	[sflag:s24] =	ssyncset.done $0x0  }
0x1d0: {  	s23 =	rddreg [dreg:$0x13];
	[sflag:s24] =	ssyncadd.s32 $0xFFFFC000  }
0x1d1: {  	[hbm4b:s23+s3] =	stream.linear.scatter [tilespmem:s17], [sflag:$0x8], $0x4000, $0x38;
	[tilespmem:$0x1C100] =	vst v63  }
0x1d2: {  	_ =	swait.ge [sflag:s30], $0x4000  }
0x1d3: {  	[sflag:s30] =	ssyncset.done $0x0  }
0x1d4: {  	s25 =	rddreg [dreg:$0x14];
	[sflag:s30] =	ssyncadd.s32 $0xFFFFC000  }
0x1d5: {  	[hbm4b:s25+s3] =	stream.linear.scatter [tilespmem:s8], [sflag:$0x9], $0x4000, $0x38;
	[tilespmem:$0x1C100] =	vst v63  }
0x1d6: {  	_ =	swait.ge [sflag:s28], $0x4000  }
0x1d7: {  	[sflag:s28] =	ssyncset.done $0x0  }
0x1d8: {  	[sflag:s28] =	ssyncadd.s32 $0xFFFFC000  }
0x1d9: {  	_ =	swait.ge [sflag:s10], $0x4000  }
0x1da: {  	[sflag:s10] =	ssyncset.done $0x0  }
0x1db: {  	[sflag:s10] =	ssyncadd.s32 $0xFFFFC000  }
0x1dc: {  	_ =	swait.ge [sflag:s31], $0x4000  }
0x1dd: {  	[sflag:s31] =	ssyncset.done $0x0  }
0x1de: {  	[sflag:s31] =	ssyncadd.s32 $0xFFFFC000  }
0x1df: {  	_ =	swait.ge [sflag:s12], $0x4000  }
0x1e0: {  	[sflag:s12] =	ssyncset.done $0x0  }
0x1e1: {  	[sflag:s12] =	ssyncadd.s32 $0xFFFFC000  }
0x1e2: {  	_ =	swait.ge [sflag:s16], $0x4000  }
0x1e3: {  	[sflag:s16] =	ssyncset.done $0x0  }
0x1e4: {  	[sflag:s16] =	ssyncadd.s32 $0xFFFFC000  }
0x1e5: {  	p0 =	sne.s32 s7, $0x1;
	_ =	swait.ge [sflag:s19], $0x4000  }
.Ltmp0:
0x1e6: {  	[sflag:s19] =	ssyncset.done $0x0;
	(pc) =	sbr.rel @p0 .LBB2_1-.Ltmp0, $4  }
0x1e7: {  	[sflag:s19] =	ssyncadd.s32 $0xFFFFC000  }
0x1e8: {  	_ =	swait.ge [sflag:s20], $0x4000  }
0x1e9: {  	[sflag:s20] =	ssyncset.done $0x0  }
0x1ea: {  	s7 =	sadd.s32 $0xFFFFFFFF, s7;
	[sflag:s20] =	ssyncadd.s32 $0xFFFFC000  }
0x1eb: {  	_ =	sfence.sel $0x180000  }
0x1ec: {  	[bflag:$0x0] =	sbarrier.arrive $0xFFFF  }
0x1ed: {  	_ =	strace $0x90000047  }
0x1ee: {  	s0 =	stileid.u32;
	[bflag:$0x2] =	sbarrier.arrive $0xFFFF  }
0x1ef: {  	p0 =	sne.s32 s0, $0x0;
	s0 =	rddreg [dreg:$0x3]  }
0x1f0: {  	s0 =	sadd.s32 @!p0 $0x100000, s0  }
0x1f1: {  	[sflag:s0] =	ssyncadd.tile.s32 @!p0 $0x1;
	_ =	shalt  }
.Lfunc_end2:
_tile_overlayer_lowered:
.L_overlay_start_2:
0x1f2: {  	(tag) =	ssettag $0x2  }
0x1f3: {  	s0 =	rddreg [dreg:$0x0];
	s2 =	stileid.u32  }
0x1f4: {  	s1 =	rddreg [dreg:$0x1];
	p0 =	sne.s32 s2, $0x0  }
0x1f5: {  	s3 =	rddreg [dreg:$0x2];
	[bflag:$0x3] =	sbarrier.arrive $0xFFFF;
	s2 =	simm.s32 @!p0 $0x1C0F  }
0x1f6: {  	[timem:s3], [sflag:s2] =	dma.local @!p0 [hbm:s0], s1  }
0x1f7: {  	s0 =	simm.s32 @!p0 $0xF  }
0x1f8: {  	_ =	swait.ge @!p0 [sflag:s0], s1  }
0x1f9: {  	s1 =	ssub.s32 @!p0 $0x0, s1;
	[sflag:s0] =	ssyncset.done @!p0 $0x0  }
0x1fa: {  	[sflag:s0] =	ssyncadd.s32 @!p0 s1  }
0x1fb: {  	[bflag:$0x3] =	sbarrier.arrive $0xFFFF  }
0x1fc: {  	_ =	shalt  }

</sc_bundles>
